<compile_context>
chip_gen: v7x
topology: tpu7x:2x2x1
jax: 0.10.2.dev20260603
libtpu: 0.0.44.dev20260713+nightly
codegen_flags: <defaults>
</compile_context>

<pallas_src>
import functools

import numpy as np

import jax
import jax.numpy as jnp
from jax import lax
from jax.experimental import pallas as pl
from jax.experimental.pallas import tpu as pltpu
from jax.experimental.pallas import tpu_sc as plsc

_BS, _S, _P, _R, _D = 1024, 50, 100000, 1000, 64
_K = 10

_NC, _NS = 2, 16
_NW = _NC * _NS
_NSEQ = _BS * _S
_CHUNK = _NSEQ // _NW

_TP = 1024
_NB = -(-_P // _TP)
_PPAD = _NB * _TP

_Z = np.int32(0)

_UB = 128
_SPAD = 56

_GCH = 100
_GROWS = _CHUNK // _GCH


def _sc_seq_gather(seq3d, rid_table):
    mesh = plsc.VectorSubcoreMesh(core_axis_name="c", subcore_axis_name="s")

    @functools.partial(
        pl.kernel,
        mesh=mesh,
        out_type=jax.ShapeDtypeStruct((_NW, _GROWS, _GCH), jnp.int32),
        scratch_types=[
            pltpu.VMEM((_GROWS, _GCH), jnp.int32),
            pltpu.VMEM((_GROWS, _GCH), jnp.int32),
            pltpu.SemaphoreType.DMA,
        ],
    )
    def k(seq_hbm, table_hbm, out_hbm, idx_v, out_v, sem):
        wid = (lax.axis_index("s") * jnp.int32(_NC)
               + lax.axis_index("c")).astype(jnp.int32)
        pltpu.sync_copy(seq_hbm.at[wid], idx_v)
        copies = [
            pltpu.async_copy(table_hbm.at[idx_v.at[jnp.int32(j)]],
                             out_v.at[jnp.int32(j)], sem)
            for j in range(_GROWS)
        ]
        for c in copies:
            c.wait()
        pltpu.sync_copy(out_v, out_hbm.at[wid])

    return k(seq3d, rid_table)


def _pref_body(rid_ref, len_ref, rw_ref, alpha_ref, out_ref, acc_ref):
    L = len_ref[...]
    start = jnp.maximum(L - _K, 0)
    cnt = jnp.maximum(L - start, 1).astype(jnp.float32)
    w0 = alpha_ref[...] / cnt
    iota_r = lax.broadcasted_iota(jnp.int32, (1, _R), 1)
    iota_s = lax.broadcasted_iota(jnp.int32, (1, _SPAD), 1)
    rid = rid_ref[...]
    acc_ref[...] = jnp.zeros((_UB, _R), jnp.float32)

    def step(s, c):
        rid_s = jnp.sum(jnp.where(iota_s == s, rid, jnp.int32(0)),
                        axis=1, keepdims=True,
                        dtype=jnp.int32)
        valid = (s >= start) & (s < L)
        w = jnp.where(valid, w0, 0.0)
        oh = (rid_s == iota_r).astype(jnp.float32)
        acc_ref[...] += w * oh
        return c

    lax.fori_loop(jnp.int32(0), jnp.int32(_S), step, jnp.int32(0))
    out_ref[...] = jnp.dot(acc_ref[...], rw_ref[...],
                           preferred_element_type=jnp.float32)


def _pref_call(rid_pad, len2d, region_weight, alpha2d):
    return pl.pallas_call(
        _pref_body,
        grid=(_BS // _UB,),
        in_specs=[
            pl.BlockSpec((_UB, _SPAD), lambda i: (i, _Z)),
            pl.BlockSpec((_UB, 1), lambda i: (i, _Z)),
            pl.BlockSpec((_R, _D), lambda i: (_Z, _Z)),
            pl.BlockSpec((1, 1), lambda i: (_Z, _Z)),
        ],
        out_specs=pl.BlockSpec((_UB, _D), lambda i: (i, _Z)),
        out_shape=jax.ShapeDtypeStruct((_BS, _D), jnp.float32),
        scratch_shapes=[pltpu.VMEM((_UB, _R), jnp.float32)],
    )(rid_pad, len2d, region_weight, alpha2d)


def _main_body(rid_ref, pred_ref, up_ref, rwt_ref, out_ref):
    rid_row = rid_ref[0]
    iota_r = lax.broadcasted_iota(jnp.int32, (_R, 1), 0)
    oh_t = (rid_row == iota_r).astype(jnp.bfloat16)
    e_t = jnp.dot(rwt_ref[...].astype(jnp.bfloat16), oh_t,
                  preferred_element_type=jnp.float32)
    score = jnp.dot(up_ref[...].astype(jnp.bfloat16),
                    e_t.astype(jnp.bfloat16),
                    preferred_element_type=jnp.float32)
    out_ref[...] = pred_ref[...] + score


def _main_call(rid3d, pred_base, up, rwt):
    return pl.pallas_call(
        _main_body,
        grid=(_NB,),
        in_specs=[
            pl.BlockSpec((1, 1, _TP), lambda i: (i, _Z, _Z)),
            pl.BlockSpec((_BS, _TP), lambda i: (_Z, i)),
            pl.BlockSpec((_BS, _D), lambda i: (_Z, _Z)),
            pl.BlockSpec((_D, _R), lambda i: (_Z, _Z)),
        ],
        out_specs=pl.BlockSpec((_BS, _TP), lambda i: (_Z, i)),
        out_shape=jax.ShapeDtypeStruct((_BS, _P), jnp.float32),
        compiler_params=pltpu.CompilerParams(
            dimension_semantics=("arbitrary",)),
    )(rid3d, pred_base, up, rwt)


def kernel(pred_base, user_seq, user_seq_len, poi_region_id, region_weight, alpha):
    seq3d = user_seq.astype(jnp.int32).reshape(_NW, _GROWS, _GCH)
    rid32 = poi_region_id.astype(jnp.int32)
    rid_seq = _sc_seq_gather(seq3d, rid32)
    rid_pad = jnp.pad(rid_seq.reshape(_BS, _S), ((0, 0), (0, _SPAD - _S)))
    len2d = user_seq_len.astype(jnp.int32).reshape(_BS, 1)
    alpha2d = alpha.astype(jnp.float32).reshape(1, 1)
    up = _pref_call(rid_pad, len2d, region_weight, alpha2d)
    rid3d = jnp.pad(rid32, (0, _PPAD - _P)).reshape(_NB, 1, _TP)
    return _main_call(rid3d, pred_base, up, region_weight.T)

# --- scband reference (transcript-rebuilt; emitter-appended) ---
"""Pipeline reference for scband-region-residual-calibration-7430293422638 (READ-ONLY COPY).

The authoritative reference and input builder live on the scoring server;
editing this copy changes nothing except your own understanding.
"""

import jax, jax.numpy as jnp
import numpy as np
jax.config.update('jax_enable_x64', True)

RECENT_K = 10
BS, S, P, R, D = 1024, 50, 100000, 1000, 64

def setup_inputs(seed: int = 0) -> dict:
    key = jax.random.key(seed)
    ks = jax.random.split(key, 6)
    pred_base = jax.random.normal(ks[0], (BS, P), dtype=jnp.float32)
    user_seq = jax.random.randint(ks[1], (BS, S), 0, P).astype(jnp.int64)
    user_seq_len = jax.random.randint(ks[2], (BS,), 0, S).astype(jnp.int64)
    poi_region_id = jax.random.randint(ks[3], (P,), 0, R).astype(jnp.int64)
    region_weight = jax.random.normal(ks[4], (R, D), dtype=jnp.float32) * 0.05
    alpha = jnp.array([0.05], dtype=jnp.float32)
    return {"pred_base": pred_base, "user_seq": user_seq, "user_seq_len": user_seq_len,
            "poi_region_id": poi_region_id, "region_weight": region_weight, "alpha": alpha}

def _recent_poi_region_pref(region_weight, user_seq, user_seq_len, poi_region_id, k):
    # Vectorized equivalent of the per-user python loop:
    # mean of region embeddings of last-k valid POIs; zeros if L <= 0.
    pos = jnp.arange(user_seq.shape[1])[None, :]                  # [1, S]
    L = user_seq_len[:, None]                                     # [BS, 1]
    mask = (pos >= jnp.maximum(L - k, 0)) & (pos < L)             # [BS, S]
    rid = poi_region_id[user_seq]                                 # gather: [BS, S]
    emb = jnp.take(region_weight, rid, axis=0)                    # gather: [BS, S, D]
    m = mask[..., None].astype(emb.dtype)
    s = jnp.sum(emb * m, axis=1)                                  # [BS, D]
    cnt = jnp.maximum(jnp.sum(mask, axis=1, keepdims=True).astype(emb.dtype), 1.0)
    return s / cnt

def reference(pred_base, user_seq, user_seq_len, poi_region_id, region_weight, alpha):
    user_pref = _recent_poi_region_pref(region_weight, user_seq, user_seq_len, poi_region_id, RECENT_K)
    r_emb = jnp.take(region_weight, poi_region_id, axis=0)        # [P, D]
    region_score = user_pref @ r_emb.T                            # sim_type='dot' -> [BS, P]
    return pred_base + alpha[0] * region_score

if __name__ == "__main__":
    import jax
    _d = setup_inputs()
    print(jax.jit(kernel)(*tuple(_d.values())))

</pallas_src>

<mosaic_0001>
#map = affine_map<(d0, d1) -> (0, 0, 0)>
#map1 = affine_map<(d0, d1) -> (0)>
module attributes {stable_mosaic.version = 14 : i64} {
  func.func @k(%arg0: i32, %arg1: i32, %arg2: memref<32x16x100xi32, #tpu.memory_space<hbm>>, %arg3: memref<100000xi32, #tpu.memory_space<hbm>>, %arg4: memref<32x16x100xi32, #tpu.memory_space<hbm>>, %arg5: memref<16x100xi32, #tpu.memory_space<vmem>>, %arg6: memref<16x100xi32, #tpu.memory_space<vmem>>, %arg7: memref<!tpu.dma_semaphore, #tpu.memory_space<semaphore_mem>>) attributes {dimension_semantics = [#tpu.dimension_semantics<core_parallel>, #tpu.dimension_semantics<subcore_parallel>], iteration_bounds = array<i64: 2, 16>, scalar_prefetch = 0 : i64, scratch_operands = 3 : i64, tpu.core_type = #tpu.core_type<sc_vector_subcore>, window_params = [{transform_indices = #map}, {transform_indices = #map1}, {transform_indices = #map}]} {
    %mul3A = arith.constant 2 : i32
    %mul3A_0 = arith.muli %arg1, %mul3A : i32
    %add3A = arith.addi %mul3A_0, %arg0 : i32
    "tpu.region"() ({
      %run_scoped3A = tpu.sem_alloc : memref<!tpu.dma_semaphore, #tpu.memory_space<semaphore_mem>>
      %dma_start3A_319 = arith.constant 0 : i32
      %dma_start3A_320 = arith.constant 0 : i32
      %dma_start3A_321 = tpu.memref_slice %arg2[%add3A, %dma_start3A_319, %dma_start3A_320] : memref<32x16x100xi32, #tpu.memory_space<hbm>> -> memref<1x16x100xi32, #tpu.memory_space<hbm>>
      %dma_start3A_322 = tpu.memref_squeeze %dma_start3A_321 : memref<1x16x100xi32, #tpu.memory_space<hbm>> -> memref<16x100xi32, #tpu.memory_space<hbm>>
      %dma_start3A_323 = arith.constant 0 : i32
      %dma_start3A_324 = arith.constant 0 : i32
      %dma_start3A_325 = tpu.memref_slice %arg2[%add3A, %dma_start3A_323, %dma_start3A_324] : memref<32x16x100xi32, #tpu.memory_space<hbm>> -> memref<1x16x100xi32, #tpu.memory_space<hbm>>
      %dma_start3A_326 = tpu.memref_squeeze %dma_start3A_325 : memref<1x16x100xi32, #tpu.memory_space<hbm>> -> memref<16x100xi32, #tpu.memory_space<hbm>>
      tpu.enqueue_dma source(%dma_start3A_326 : memref<16x100xi32, #tpu.memory_space<hbm>>) target(%arg5 : memref<16x100xi32, #tpu.memory_space<vmem>>) target_semaphore(%run_scoped3A : memref<!tpu.dma_semaphore, #tpu.memory_space<semaphore_mem>>)
      %dma_wait3A_327 = arith.constant 0 : i32
      %dma_wait3A_328 = arith.constant 0 : i32
      %dma_wait3A_329 = tpu.memref_slice %arg2[%add3A, %dma_wait3A_327, %dma_wait3A_328] : memref<32x16x100xi32, #tpu.memory_space<hbm>> -> memref<1x16x100xi32, #tpu.memory_space<hbm>>
      %dma_wait3A_330 = tpu.memref_squeeze %dma_wait3A_329 : memref<1x16x100xi32, #tpu.memory_space<hbm>> -> memref<16x100xi32, #tpu.memory_space<hbm>>
      %dma_wait3A_331 = arith.constant 0 : i32
      %dma_wait3A_332 = arith.constant 0 : i32
      %dma_wait3A_333 = tpu.memref_slice %arg2[%add3A, %dma_wait3A_331, %dma_wait3A_332] : memref<32x16x100xi32, #tpu.memory_space<hbm>> -> memref<1x16x100xi32, #tpu.memory_space<hbm>>
      %dma_wait3A_334 = tpu.memref_squeeze %dma_wait3A_333 : memref<1x16x100xi32, #tpu.memory_space<hbm>> -> memref<16x100xi32, #tpu.memory_space<hbm>>
      tpu.wait_dma2 semaphore(%run_scoped3A : memref<!tpu.dma_semaphore, #tpu.memory_space<semaphore_mem>>) src(%dma_wait3A_334 : memref<16x100xi32, #tpu.memory_space<hbm>>) dst(%arg5 : memref<16x100xi32, #tpu.memory_space<vmem>>)
      tpu.yield
    }) : () -> ()
    %dma_start3A = arith.constant 0 : i32
    %dma_start3A_1 = arith.constant 0 : i32
    %dma_start3A_2 = arith.constant 0 : i32
    %dma_start3A_3 = tpu.memref_slice %arg6[%dma_start3A_1, %dma_start3A_2] : memref<16x100xi32, #tpu.memory_space<vmem>> -> memref<1x100xi32, #tpu.memory_space<vmem>>
    %dma_start3A_4 = tpu.memref_squeeze %dma_start3A_3 : memref<1x100xi32, #tpu.memory_space<vmem>> -> memref<100xi32, #tpu.memory_space<vmem>>
    %dma_start3A_5 = arith.constant 0 : i32
    %dma_start3A_6 = tpu.memref_slice %arg5[%dma_start3A, %dma_start3A_5] : memref<16x100xi32, #tpu.memory_space<vmem>> -> memref<1x100xi32, #tpu.memory_space<vmem>>
    %dma_start3A_7 = tpu.memref_squeeze %dma_start3A_6 : memref<1x100xi32, #tpu.memory_space<vmem>> -> memref<100xi32, #tpu.memory_space<vmem>>
    %dma_start3A_8 = arith.constant 0 : i32
    %dma_start3A_9 = tpu.memref_slice %arg3[%dma_start3A_8] : memref<100000xi32, #tpu.memory_space<hbm>> -> memref<100000xi32, #tpu.memory_space<hbm>>
    tpu.enqueue_indirect_dma source(%dma_start3A_9 : memref<100000xi32, #tpu.memory_space<hbm>>) target(%dma_start3A_4 : memref<100xi32, #tpu.memory_space<vmem>>) offsets(%dma_start3A_7 : memref<100xi32, #tpu.memory_space<vmem>>) semaphore(%arg7 : memref<!tpu.dma_semaphore, #tpu.memory_space<semaphore_mem>>)
    %dma_start3A_10 = arith.constant 1 : i32
    %dma_start3A_11 = arith.constant 1 : i32
    %dma_start3A_12 = arith.constant 0 : i32
    %dma_start3A_13 = tpu.memref_slice %arg6[%dma_start3A_11, %dma_start3A_12] : memref<16x100xi32, #tpu.memory_space<vmem>> -> memref<1x100xi32, #tpu.memory_space<vmem>>
    %dma_start3A_14 = tpu.memref_squeeze %dma_start3A_13 : memref<1x100xi32, #tpu.memory_space<vmem>> -> memref<100xi32, #tpu.memory_space<vmem>>
    %dma_start3A_15 = arith.constant 0 : i32
    %dma_start3A_16 = tpu.memref_slice %arg5[%dma_start3A_10, %dma_start3A_15] : memref<16x100xi32, #tpu.memory_space<vmem>> -> memref<1x100xi32, #tpu.memory_space<vmem>>
    %dma_start3A_17 = tpu.memref_squeeze %dma_start3A_16 : memref<1x100xi32, #tpu.memory_space<vmem>> -> memref<100xi32, #tpu.memory_space<vmem>>
    %dma_start3A_18 = arith.constant 0 : i32
    %dma_start3A_19 = tpu.memref_slice %arg3[%dma_start3A_18] : memref<100000xi32, #tpu.memory_space<hbm>> -> memref<100000xi32, #tpu.memory_space<hbm>>
    tpu.enqueue_indirect_dma source(%dma_start3A_19 : memref<100000xi32, #tpu.memory_space<hbm>>) target(%dma_start3A_14 : memref<100xi32, #tpu.memory_space<vmem>>) offsets(%dma_start3A_17 : memref<100xi32, #tpu.memory_space<vmem>>) semaphore(%arg7 : memref<!tpu.dma_semaphore, #tpu.memory_space<semaphore_mem>>)
    %dma_start3A_20 = arith.constant 2 : i32
    %dma_start3A_21 = arith.constant 2 : i32
    %dma_start3A_22 = arith.constant 0 : i32
    %dma_start3A_23 = tpu.memref_slice %arg6[%dma_start3A_21, %dma_start3A_22] : memref<16x100xi32, #tpu.memory_space<vmem>> -> memref<1x100xi32, #tpu.memory_space<vmem>>
    %dma_start3A_24 = tpu.memref_squeeze %dma_start3A_23 : memref<1x100xi32, #tpu.memory_space<vmem>> -> memref<100xi32, #tpu.memory_space<vmem>>
    %dma_start3A_25 = arith.constant 0 : i32
    %dma_start3A_26 = tpu.memref_slice %arg5[%dma_start3A_20, %dma_start3A_25] : memref<16x100xi32, #tpu.memory_space<vmem>> -> memref<1x100xi32, #tpu.memory_space<vmem>>
    %dma_start3A_27 = tpu.memref_squeeze %dma_start3A_26 : memref<1x100xi32, #tpu.memory_space<vmem>> -> memref<100xi32, #tpu.memory_space<vmem>>
    %dma_start3A_28 = arith.constant 0 : i32
    %dma_start3A_29 = tpu.memref_slice %arg3[%dma_start3A_28] : memref<100000xi32, #tpu.memory_space<hbm>> -> memref<100000xi32, #tpu.memory_space<hbm>>
    tpu.enqueue_indirect_dma source(%dma_start3A_29 : memref<100000xi32, #tpu.memory_space<hbm>>) target(%dma_start3A_24 : memref<100xi32, #tpu.memory_space<vmem>>) offsets(%dma_start3A_27 : memref<100xi32, #tpu.memory_space<vmem>>) semaphore(%arg7 : memref<!tpu.dma_semaphore, #tpu.memory_space<semaphore_mem>>)
    %dma_start3A_30 = arith.constant 3 : i32
    %dma_start3A_31 = arith.constant 3 : i32
    %dma_start3A_32 = arith.constant 0 : i32
    %dma_start3A_33 = tpu.memref_slice %arg6[%dma_start3A_31, %dma_start3A_32] : memref<16x100xi32, #tpu.memory_space<vmem>> -> memref<1x100xi32, #tpu.memory_space<vmem>>
    %dma_start3A_34 = tpu.memref_squeeze %dma_start3A_33 : memref<1x100xi32, #tpu.memory_space<vmem>> -> memref<100xi32, #tpu.memory_space<vmem>>
    %dma_start3A_35 = arith.constant 0 : i32
    %dma_start3A_36 = tpu.memref_slice %arg5[%dma_start3A_30, %dma_start3A_35] : memref<16x100xi32, #tpu.memory_space<vmem>> -> memref<1x100xi32, #tpu.memory_space<vmem>>
    %dma_start3A_37 = tpu.memref_squeeze %dma_start3A_36 : memref<1x100xi32, #tpu.memory_space<vmem>> -> memref<100xi32, #tpu.memory_space<vmem>>
    %dma_start3A_38 = arith.constant 0 : i32
    %dma_start3A_39 = tpu.memref_slice %arg3[%dma_start3A_38] : memref<100000xi32, #tpu.memory_space<hbm>> -> memref<100000xi32, #tpu.memory_space<hbm>>
    tpu.enqueue_indirect_dma source(%dma_start3A_39 : memref<100000xi32, #tpu.memory_space<hbm>>) target(%dma_start3A_34 : memref<100xi32, #tpu.memory_space<vmem>>) offsets(%dma_start3A_37 : memref<100xi32, #tpu.memory_space<vmem>>) semaphore(%arg7 : memref<!tpu.dma_semaphore, #tpu.memory_space<semaphore_mem>>)
    %dma_start3A_40 = arith.constant 4 : i32
    %dma_start3A_41 = arith.constant 4 : i32
    %dma_start3A_42 = arith.constant 0 : i32
    %dma_start3A_43 = tpu.memref_slice %arg6[%dma_start3A_41, %dma_start3A_42] : memref<16x100xi32, #tpu.memory_space<vmem>> -> memref<1x100xi32, #tpu.memory_space<vmem>>
    %dma_start3A_44 = tpu.memref_squeeze %dma_start3A_43 : memref<1x100xi32, #tpu.memory_space<vmem>> -> memref<100xi32, #tpu.memory_space<vmem>>
    %dma_start3A_45 = arith.constant 0 : i32
    %dma_start3A_46 = tpu.memref_slice %arg5[%dma_start3A_40, %dma_start3A_45] : memref<16x100xi32, #tpu.memory_space<vmem>> -> memref<1x100xi32, #tpu.memory_space<vmem>>
    %dma_start3A_47 = tpu.memref_squeeze %dma_start3A_46 : memref<1x100xi32, #tpu.memory_space<vmem>> -> memref<100xi32, #tpu.memory_space<vmem>>
    %dma_start3A_48 = arith.constant 0 : i32
    %dma_start3A_49 = tpu.memref_slice %arg3[%dma_start3A_48] : memref<100000xi32, #tpu.memory_space<hbm>> -> memref<100000xi32, #tpu.memory_space<hbm>>
    tpu.enqueue_indirect_dma source(%dma_start3A_49 : memref<100000xi32, #tpu.memory_space<hbm>>) target(%dma_start3A_44 : memref<100xi32, #tpu.memory_space<vmem>>) offsets(%dma_start3A_47 : memref<100xi32, #tpu.memory_space<vmem>>) semaphore(%arg7 : memref<!tpu.dma_semaphore, #tpu.memory_space<semaphore_mem>>)
    %dma_start3A_50 = arith.constant 5 : i32
    %dma_start3A_51 = arith.constant 5 : i32
    %dma_start3A_52 = arith.constant 0 : i32
    %dma_start3A_53 = tpu.memref_slice %arg6[%dma_start3A_51, %dma_start3A_52] : memref<16x100xi32, #tpu.memory_space<vmem>> -> memref<1x100xi32, #tpu.memory_space<vmem>>
    %dma_start3A_54 = tpu.memref_squeeze %dma_start3A_53 : memref<1x100xi32, #tpu.memory_space<vmem>> -> memref<100xi32, #tpu.memory_space<vmem>>
    %dma_start3A_55 = arith.constant 0 : i32
    %dma_start3A_56 = tpu.memref_slice %arg5[%dma_start3A_50, %dma_start3A_55] : memref<16x100xi32, #tpu.memory_space<vmem>> -> memref<1x100xi32, #tpu.memory_space<vmem>>
    %dma_start3A_57 = tpu.memref_squeeze %dma_start3A_56 : memref<1x100xi32, #tpu.memory_space<vmem>> -> memref<100xi32, #tpu.memory_space<vmem>>
    %dma_start3A_58 = arith.constant 0 : i32
    %dma_start3A_59 = tpu.memref_slice %arg3[%dma_start3A_58] : memref<100000xi32, #tpu.memory_space<hbm>> -> memref<100000xi32, #tpu.memory_space<hbm>>
    tpu.enqueue_indirect_dma source(%dma_start3A_59 : memref<100000xi32, #tpu.memory_space<hbm>>) target(%dma_start3A_54 : memref<100xi32, #tpu.memory_space<vmem>>) offsets(%dma_start3A_57 : memref<100xi32, #tpu.memory_space<vmem>>) semaphore(%arg7 : memref<!tpu.dma_semaphore, #tpu.memory_space<semaphore_mem>>)
    %dma_start3A_60 = arith.constant 6 : i32
    %dma_start3A_61 = arith.constant 6 : i32
    %dma_start3A_62 = arith.constant 0 : i32
    %dma_start3A_63 = tpu.memref_slice %arg6[%dma_start3A_61, %dma_start3A_62] : memref<16x100xi32, #tpu.memory_space<vmem>> -> memref<1x100xi32, #tpu.memory_space<vmem>>
    %dma_start3A_64 = tpu.memref_squeeze %dma_start3A_63 : memref<1x100xi32, #tpu.memory_space<vmem>> -> memref<100xi32, #tpu.memory_space<vmem>>
    %dma_start3A_65 = arith.constant 0 : i32
    %dma_start3A_66 = tpu.memref_slice %arg5[%dma_start3A_60, %dma_start3A_65] : memref<16x100xi32, #tpu.memory_space<vmem>> -> memref<1x100xi32, #tpu.memory_space<vmem>>
    %dma_start3A_67 = tpu.memref_squeeze %dma_start3A_66 : memref<1x100xi32, #tpu.memory_space<vmem>> -> memref<100xi32, #tpu.memory_space<vmem>>
    %dma_start3A_68 = arith.constant 0 : i32
    %dma_start3A_69 = tpu.memref_slice %arg3[%dma_start3A_68] : memref<100000xi32, #tpu.memory_space<hbm>> -> memref<100000xi32, #tpu.memory_space<hbm>>
    tpu.enqueue_indirect_dma source(%dma_start3A_69 : memref<100000xi32, #tpu.memory_space<hbm>>) target(%dma_start3A_64 : memref<100xi32, #tpu.memory_space<vmem>>) offsets(%dma_start3A_67 : memref<100xi32, #tpu.memory_space<vmem>>) semaphore(%arg7 : memref<!tpu.dma_semaphore, #tpu.memory_space<semaphore_mem>>)
    %dma_start3A_70 = arith.constant 7 : i32
    %dma_start3A_71 = arith.constant 7 : i32
    %dma_start3A_72 = arith.constant 0 : i32
    %dma_start3A_73 = tpu.memref_slice %arg6[%dma_start3A_71, %dma_start3A_72] : memref<16x100xi32, #tpu.memory_space<vmem>> -> memref<1x100xi32, #tpu.memory_space<vmem>>
    %dma_start3A_74 = tpu.memref_squeeze %dma_start3A_73 : memref<1x100xi32, #tpu.memory_space<vmem>> -> memref<100xi32, #tpu.memory_space<vmem>>
    %dma_start3A_75 = arith.constant 0 : i32
    %dma_start3A_76 = tpu.memref_slice %arg5[%dma_start3A_70, %dma_start3A_75] : memref<16x100xi32, #tpu.memory_space<vmem>> -> memref<1x100xi32, #tpu.memory_space<vmem>>
    %dma_start3A_77 = tpu.memref_squeeze %dma_start3A_76 : memref<1x100xi32, #tpu.memory_space<vmem>> -> memref<100xi32, #tpu.memory_space<vmem>>
    %dma_start3A_78 = arith.constant 0 : i32
    %dma_start3A_79 = tpu.memref_slice %arg3[%dma_start3A_78] : memref<100000xi32, #tpu.memory_space<hbm>> -> memref<100000xi32, #tpu.memory_space<hbm>>
    tpu.enqueue_indirect_dma source(%dma_start3A_79 : memref<100000xi32, #tpu.memory_space<hbm>>) target(%dma_start3A_74 : memref<100xi32, #tpu.memory_space<vmem>>) offsets(%dma_start3A_77 : memref<100xi32, #tpu.memory_space<vmem>>) semaphore(%arg7 : memref<!tpu.dma_semaphore, #tpu.memory_space<semaphore_mem>>)
    %dma_start3A_80 = arith.constant 8 : i32
    %dma_start3A_81 = arith.constant 8 : i32
    %dma_start3A_82 = arith.constant 0 : i32
    %dma_start3A_83 = tpu.memref_slice %arg6[%dma_start3A_81, %dma_start3A_82] : memref<16x100xi32, #tpu.memory_space<vmem>> -> memref<1x100xi32, #tpu.memory_space<vmem>>
    %dma_start3A_84 = tpu.memref_squeeze %dma_start3A_83 : memref<1x100xi32, #tpu.memory_space<vmem>> -> memref<100xi32, #tpu.memory_space<vmem>>
    %dma_start3A_85 = arith.constant 0 : i32
    %dma_start3A_86 = tpu.memref_slice %arg5[%dma_start3A_80, %dma_start3A_85] : memref<16x100xi32, #tpu.memory_space<vmem>> -> memref<1x100xi32, #tpu.memory_space<vmem>>
    %dma_start3A_87 = tpu.memref_squeeze %dma_start3A_86 : memref<1x100xi32, #tpu.memory_space<vmem>> -> memref<100xi32, #tpu.memory_space<vmem>>
    %dma_start3A_88 = arith.constant 0 : i32
    %dma_start3A_89 = tpu.memref_slice %arg3[%dma_start3A_88] : memref<100000xi32, #tpu.memory_space<hbm>> -> memref<100000xi32, #tpu.memory_space<hbm>>
    tpu.enqueue_indirect_dma source(%dma_start3A_89 : memref<100000xi32, #tpu.memory_space<hbm>>) target(%dma_start3A_84 : memref<100xi32, #tpu.memory_space<vmem>>) offsets(%dma_start3A_87 : memref<100xi32, #tpu.memory_space<vmem>>) semaphore(%arg7 : memref<!tpu.dma_semaphore, #tpu.memory_space<semaphore_mem>>)
    %dma_start3A_90 = arith.constant 9 : i32
    %dma_start3A_91 = arith.constant 9 : i32
    %dma_start3A_92 = arith.constant 0 : i32
    %dma_start3A_93 = tpu.memref_slice %arg6[%dma_start3A_91, %dma_start3A_92] : memref<16x100xi32, #tpu.memory_space<vmem>> -> memref<1x100xi32, #tpu.memory_space<vmem>>
    %dma_start3A_94 = tpu.memref_squeeze %dma_start3A_93 : memref<1x100xi32, #tpu.memory_space<vmem>> -> memref<100xi32, #tpu.memory_space<vmem>>
    %dma_start3A_95 = arith.constant 0 : i32
    %dma_start3A_96 = tpu.memref_slice %arg5[%dma_start3A_90, %dma_start3A_95] : memref<16x100xi32, #tpu.memory_space<vmem>> -> memref<1x100xi32, #tpu.memory_space<vmem>>
    %dma_start3A_97 = tpu.memref_squeeze %dma_start3A_96 : memref<1x100xi32, #tpu.memory_space<vmem>> -> memref<100xi32, #tpu.memory_space<vmem>>
    %dma_start3A_98 = arith.constant 0 : i32
    %dma_start3A_99 = tpu.memref_slice %arg3[%dma_start3A_98] : memref<100000xi32, #tpu.memory_space<hbm>> -> memref<100000xi32, #tpu.memory_space<hbm>>
    tpu.enqueue_indirect_dma source(%dma_start3A_99 : memref<100000xi32, #tpu.memory_space<hbm>>) target(%dma_start3A_94 : memref<100xi32, #tpu.memory_space<vmem>>) offsets(%dma_start3A_97 : memref<100xi32, #tpu.memory_space<vmem>>) semaphore(%arg7 : memref<!tpu.dma_semaphore, #tpu.memory_space<semaphore_mem>>)
    %dma_start3A_100 = arith.constant 10 : i32
    %dma_start3A_101 = arith.constant 10 : i32
    %dma_start3A_102 = arith.constant 0 : i32
    %dma_start3A_103 = tpu.memref_slice %arg6[%dma_start3A_101, %dma_start3A_102] : memref<16x100xi32, #tpu.memory_space<vmem>> -> memref<1x100xi32, #tpu.memory_space<vmem>>
    %dma_start3A_104 = tpu.memref_squeeze %dma_start3A_103 : memref<1x100xi32, #tpu.memory_space<vmem>> -> memref<100xi32, #tpu.memory_space<vmem>>
    %dma_start3A_105 = arith.constant 0 : i32
    %dma_start3A_106 = tpu.memref_slice %arg5[%dma_start3A_100, %dma_start3A_105] : memref<16x100xi32, #tpu.memory_space<vmem>> -> memref<1x100xi32, #tpu.memory_space<vmem>>
    %dma_start3A_107 = tpu.memref_squeeze %dma_start3A_106 : memref<1x100xi32, #tpu.memory_space<vmem>> -> memref<100xi32, #tpu.memory_space<vmem>>
    %dma_start3A_108 = arith.constant 0 : i32
    %dma_start3A_109 = tpu.memref_slice %arg3[%dma_start3A_108] : memref<100000xi32, #tpu.memory_space<hbm>> -> memref<100000xi32, #tpu.memory_space<hbm>>
    tpu.enqueue_indirect_dma source(%dma_start3A_109 : memref<100000xi32, #tpu.memory_space<hbm>>) target(%dma_start3A_104 : memref<100xi32, #tpu.memory_space<vmem>>) offsets(%dma_start3A_107 : memref<100xi32, #tpu.memory_space<vmem>>) semaphore(%arg7 : memref<!tpu.dma_semaphore, #tpu.memory_space<semaphore_mem>>)
    %dma_start3A_110 = arith.constant 11 : i32
    %dma_start3A_111 = arith.constant 11 : i32
    %dma_start3A_112 = arith.constant 0 : i32
    %dma_start3A_113 = tpu.memref_slice %arg6[%dma_start3A_111, %dma_start3A_112] : memref<16x100xi32, #tpu.memory_space<vmem>> -> memref<1x100xi32, #tpu.memory_space<vmem>>
    %dma_start3A_114 = tpu.memref_squeeze %dma_start3A_113 : memref<1x100xi32, #tpu.memory_space<vmem>> -> memref<100xi32, #tpu.memory_space<vmem>>
    %dma_start3A_115 = arith.constant 0 : i32
    %dma_start3A_116 = tpu.memref_slice %arg5[%dma_start3A_110, %dma_start3A_115] : memref<16x100xi32, #tpu.memory_space<vmem>> -> memref<1x100xi32, #tpu.memory_space<vmem>>
    %dma_start3A_117 = tpu.memref_squeeze %dma_start3A_116 : memref<1x100xi32, #tpu.memory_space<vmem>> -> memref<100xi32, #tpu.memory_space<vmem>>
    %dma_start3A_118 = arith.constant 0 : i32
    %dma_start3A_119 = tpu.memref_slice %arg3[%dma_start3A_118] : memref<100000xi32, #tpu.memory_space<hbm>> -> memref<100000xi32, #tpu.memory_space<hbm>>
    tpu.enqueue_indirect_dma source(%dma_start3A_119 : memref<100000xi32, #tpu.memory_space<hbm>>) target(%dma_start3A_114 : memref<100xi32, #tpu.memory_space<vmem>>) offsets(%dma_start3A_117 : memref<100xi32, #tpu.memory_space<vmem>>) semaphore(%arg7 : memref<!tpu.dma_semaphore, #tpu.memory_space<semaphore_mem>>)
    %dma_start3A_120 = arith.constant 12 : i32
    %dma_start3A_121 = arith.constant 12 : i32
    %dma_start3A_122 = arith.constant 0 : i32
    %dma_start3A_123 = tpu.memref_slice %arg6[%dma_start3A_121, %dma_start3A_122] : memref<16x100xi32, #tpu.memory_space<vmem>> -> memref<1x100xi32, #tpu.memory_space<vmem>>
    %dma_start3A_124 = tpu.memref_squeeze %dma_start3A_123 : memref<1x100xi32, #tpu.memory_space<vmem>> -> memref<100xi32, #tpu.memory_space<vmem>>
    %dma_start3A_125 = arith.constant 0 : i32
    %dma_start3A_126 = tpu.memref_slice %arg5[%dma_start3A_120, %dma_start3A_125] : memref<16x100xi32, #tpu.memory_space<vmem>> -> memref<1x100xi32, #tpu.memory_space<vmem>>
    %dma_start3A_127 = tpu.memref_squeeze %dma_start3A_126 : memref<1x100xi32, #tpu.memory_space<vmem>> -> memref<100xi32, #tpu.memory_space<vmem>>
    %dma_start3A_128 = arith.constant 0 : i32
    %dma_start3A_129 = tpu.memref_slice %arg3[%dma_start3A_128] : memref<100000xi32, #tpu.memory_space<hbm>> -> memref<100000xi32, #tpu.memory_space<hbm>>
    tpu.enqueue_indirect_dma source(%dma_start3A_129 : memref<100000xi32, #tpu.memory_space<hbm>>) target(%dma_start3A_124 : memref<100xi32, #tpu.memory_space<vmem>>) offsets(%dma_start3A_127 : memref<100xi32, #tpu.memory_space<vmem>>) semaphore(%arg7 : memref<!tpu.dma_semaphore, #tpu.memory_space<semaphore_mem>>)
    %dma_start3A_130 = arith.constant 13 : i32
    %dma_start3A_131 = arith.constant 13 : i32
    %dma_start3A_132 = arith.constant 0 : i32
    %dma_start3A_133 = tpu.memref_slice %arg6[%dma_start3A_131, %dma_start3A_132] : memref<16x100xi32, #tpu.memory_space<vmem>> -> memref<1x100xi32, #tpu.memory_space<vmem>>
    %dma_start3A_134 = tpu.memref_squeeze %dma_start3A_133 : memref<1x100xi32, #tpu.memory_space<vmem>> -> memref<100xi32, #tpu.memory_space<vmem>>
    %dma_start3A_135 = arith.constant 0 : i32
    %dma_start3A_136 = tpu.memref_slice %arg5[%dma_start3A_130, %dma_start3A_135] : memref<16x100xi32, #tpu.memory_space<vmem>> -> memref<1x100xi32, #tpu.memory_space<vmem>>
    %dma_start3A_137 = tpu.memref_squeeze %dma_start3A_136 : memref<1x100xi32, #tpu.memory_space<vmem>> -> memref<100xi32, #tpu.memory_space<vmem>>
    %dma_start3A_138 = arith.constant 0 : i32
    %dma_start3A_139 = tpu.memref_slice %arg3[%dma_start3A_138] : memref<100000xi32, #tpu.memory_space<hbm>> -> memref<100000xi32, #tpu.memory_space<hbm>>
    tpu.enqueue_indirect_dma source(%dma_start3A_139 : memref<100000xi32, #tpu.memory_space<hbm>>) target(%dma_start3A_134 : memref<100xi32, #tpu.memory_space<vmem>>) offsets(%dma_start3A_137 : memref<100xi32, #tpu.memory_space<vmem>>) semaphore(%arg7 : memref<!tpu.dma_semaphore, #tpu.memory_space<semaphore_mem>>)
    %dma_start3A_140 = arith.constant 14 : i32
    %dma_start3A_141 = arith.constant 14 : i32
    %dma_start3A_142 = arith.constant 0 : i32
    %dma_start3A_143 = tpu.memref_slice %arg6[%dma_start3A_141, %dma_start3A_142] : memref<16x100xi32, #tpu.memory_space<vmem>> -> memref<1x100xi32, #tpu.memory_space<vmem>>
    %dma_start3A_144 = tpu.memref_squeeze %dma_start3A_143 : memref<1x100xi32, #tpu.memory_space<vmem>> -> memref<100xi32, #tpu.memory_space<vmem>>
    %dma_start3A_145 = arith.constant 0 : i32
    %dma_start3A_146 = tpu.memref_slice %arg5[%dma_start3A_140, %dma_start3A_145] : memref<16x100xi32, #tpu.memory_space<vmem>> -> memref<1x100xi32, #tpu.memory_space<vmem>>
    %dma_start3A_147 = tpu.memref_squeeze %dma_start3A_146 : memref<1x100xi32, #tpu.memory_space<vmem>> -> memref<100xi32, #tpu.memory_space<vmem>>
    %dma_start3A_148 = arith.constant 0 : i32
    %dma_start3A_149 = tpu.memref_slice %arg3[%dma_start3A_148] : memref<100000xi32, #tpu.memory_space<hbm>> -> memref<100000xi32, #tpu.memory_space<hbm>>
    tpu.enqueue_indirect_dma source(%dma_start3A_149 : memref<100000xi32, #tpu.memory_space<hbm>>) target(%dma_start3A_144 : memref<100xi32, #tpu.memory_space<vmem>>) offsets(%dma_start3A_147 : memref<100xi32, #tpu.memory_space<vmem>>) semaphore(%arg7 : memref<!tpu.dma_semaphore, #tpu.memory_space<semaphore_mem>>)
    %dma_start3A_150 = arith.constant 15 : i32
    %dma_start3A_151 = arith.constant 15 : i32
    %dma_start3A_152 = arith.constant 0 : i32
    %dma_start3A_153 = tpu.memref_slice %arg6[%dma_start3A_151, %dma_start3A_152] : memref<16x100xi32, #tpu.memory_space<vmem>> -> memref<1x100xi32, #tpu.memory_space<vmem>>
    %dma_start3A_154 = tpu.memref_squeeze %dma_start3A_153 : memref<1x100xi32, #tpu.memory_space<vmem>> -> memref<100xi32, #tpu.memory_space<vmem>>
    %dma_start3A_155 = arith.constant 0 : i32
    %dma_start3A_156 = tpu.memref_slice %arg5[%dma_start3A_150, %dma_start3A_155] : memref<16x100xi32, #tpu.memory_space<vmem>> -> memref<1x100xi32, #tpu.memory_space<vmem>>
    %dma_start3A_157 = tpu.memref_squeeze %dma_start3A_156 : memref<1x100xi32, #tpu.memory_space<vmem>> -> memref<100xi32, #tpu.memory_space<vmem>>
    %dma_start3A_158 = arith.constant 0 : i32
    %dma_start3A_159 = tpu.memref_slice %arg3[%dma_start3A_158] : memref<100000xi32, #tpu.memory_space<hbm>> -> memref<100000xi32, #tpu.memory_space<hbm>>
    tpu.enqueue_indirect_dma source(%dma_start3A_159 : memref<100000xi32, #tpu.memory_space<hbm>>) target(%dma_start3A_154 : memref<100xi32, #tpu.memory_space<vmem>>) offsets(%dma_start3A_157 : memref<100xi32, #tpu.memory_space<vmem>>) semaphore(%arg7 : memref<!tpu.dma_semaphore, #tpu.memory_space<semaphore_mem>>)
    %dma_wait3A = arith.constant 0 : i32
    %dma_wait3A_160 = arith.constant 0 : i32
    %dma_wait3A_161 = arith.constant 0 : i32
    %dma_wait3A_162 = tpu.memref_slice %arg6[%dma_wait3A_160, %dma_wait3A_161] : memref<16x100xi32, #tpu.memory_space<vmem>> -> memref<1x100xi32, #tpu.memory_space<vmem>>
    %dma_wait3A_163 = tpu.memref_squeeze %dma_wait3A_162 : memref<1x100xi32, #tpu.memory_space<vmem>> -> memref<100xi32, #tpu.memory_space<vmem>>
    %dma_wait3A_164 = arith.constant 0 : i32
    %dma_wait3A_165 = tpu.memref_slice %arg5[%dma_wait3A, %dma_wait3A_164] : memref<16x100xi32, #tpu.memory_space<vmem>> -> memref<1x100xi32, #tpu.memory_space<vmem>>
    %dma_wait3A_166 = tpu.memref_squeeze %dma_wait3A_165 : memref<1x100xi32, #tpu.memory_space<vmem>> -> memref<100xi32, #tpu.memory_space<vmem>>
    %dma_wait3A_167 = arith.constant 0 : i32
    %dma_wait3A_168 = tpu.memref_slice %arg3[%dma_wait3A_167] : memref<100000xi32, #tpu.memory_space<hbm>> -> memref<100000xi32, #tpu.memory_space<hbm>>
    tpu.wait_indirect_dma semaphore(%arg7 : memref<!tpu.dma_semaphore, #tpu.memory_space<semaphore_mem>>) src(%dma_wait3A_168 : memref<100000xi32, #tpu.memory_space<hbm>>) dst(%dma_wait3A_163 : memref<100xi32, #tpu.memory_space<vmem>>)
    %dma_wait3A_169 = arith.constant 1 : i32
    %dma_wait3A_170 = arith.constant 1 : i32
    %dma_wait3A_171 = arith.constant 0 : i32
    %dma_wait3A_172 = tpu.memref_slice %arg6[%dma_wait3A_170, %dma_wait3A_171] : memref<16x100xi32, #tpu.memory_space<vmem>> -> memref<1x100xi32, #tpu.memory_space<vmem>>
    %dma_wait3A_173 = tpu.memref_squeeze %dma_wait3A_172 : memref<1x100xi32, #tpu.memory_space<vmem>> -> memref<100xi32, #tpu.memory_space<vmem>>
    %dma_wait3A_174 = arith.constant 0 : i32
    %dma_wait3A_175 = tpu.memref_slice %arg5[%dma_wait3A_169, %dma_wait3A_174] : memref<16x100xi32, #tpu.memory_space<vmem>> -> memref<1x100xi32, #tpu.memory_space<vmem>>
    %dma_wait3A_176 = tpu.memref_squeeze %dma_wait3A_175 : memref<1x100xi32, #tpu.memory_space<vmem>> -> memref<100xi32, #tpu.memory_space<vmem>>
    %dma_wait3A_177 = arith.constant 0 : i32
    %dma_wait3A_178 = tpu.memref_slice %arg3[%dma_wait3A_177] : memref<100000xi32, #tpu.memory_space<hbm>> -> memref<100000xi32, #tpu.memory_space<hbm>>
    tpu.wait_indirect_dma semaphore(%arg7 : memref<!tpu.dma_semaphore, #tpu.memory_space<semaphore_mem>>) src(%dma_wait3A_178 : memref<100000xi32, #tpu.memory_space<hbm>>) dst(%dma_wait3A_173 : memref<100xi32, #tpu.memory_space<vmem>>)
    %dma_wait3A_179 = arith.constant 2 : i32
    %dma_wait3A_180 = arith.constant 2 : i32
    %dma_wait3A_181 = arith.constant 0 : i32
    %dma_wait3A_182 = tpu.memref_slice %arg6[%dma_wait3A_180, %dma_wait3A_181] : memref<16x100xi32, #tpu.memory_space<vmem>> -> memref<1x100xi32, #tpu.memory_space<vmem>>
    %dma_wait3A_183 = tpu.memref_squeeze %dma_wait3A_182 : memref<1x100xi32, #tpu.memory_space<vmem>> -> memref<100xi32, #tpu.memory_space<vmem>>
    %dma_wait3A_184 = arith.constant 0 : i32
    %dma_wait3A_185 = tpu.memref_slice %arg5[%dma_wait3A_179, %dma_wait3A_184] : memref<16x100xi32, #tpu.memory_space<vmem>> -> memref<1x100xi32, #tpu.memory_space<vmem>>
    %dma_wait3A_186 = tpu.memref_squeeze %dma_wait3A_185 : memref<1x100xi32, #tpu.memory_space<vmem>> -> memref<100xi32, #tpu.memory_space<vmem>>
    %dma_wait3A_187 = arith.constant 0 : i32
    %dma_wait3A_188 = tpu.memref_slice %arg3[%dma_wait3A_187] : memref<100000xi32, #tpu.memory_space<hbm>> -> memref<100000xi32, #tpu.memory_space<hbm>>
    tpu.wait_indirect_dma semaphore(%arg7 : memref<!tpu.dma_semaphore, #tpu.memory_space<semaphore_mem>>) src(%dma_wait3A_188 : memref<100000xi32, #tpu.memory_space<hbm>>) dst(%dma_wait3A_183 : memref<100xi32, #tpu.memory_space<vmem>>)
    %dma_wait3A_189 = arith.constant 3 : i32
    %dma_wait3A_190 = arith.constant 3 : i32
    %dma_wait3A_191 = arith.constant 0 : i32
    %dma_wait3A_192 = tpu.memref_slice %arg6[%dma_wait3A_190, %dma_wait3A_191] : memref<16x100xi32, #tpu.memory_space<vmem>> -> memref<1x100xi32, #tpu.memory_space<vmem>>
    %dma_wait3A_193 = tpu.memref_squeeze %dma_wait3A_192 : memref<1x100xi32, #tpu.memory_space<vmem>> -> memref<100xi32, #tpu.memory_space<vmem>>
    %dma_wait3A_194 = arith.constant 0 : i32
    %dma_wait3A_195 = tpu.memref_slice %arg5[%dma_wait3A_189, %dma_wait3A_194] : memref<16x100xi32, #tpu.memory_space<vmem>> -> memref<1x100xi32, #tpu.memory_space<vmem>>
    %dma_wait3A_196 = tpu.memref_squeeze %dma_wait3A_195 : memref<1x100xi32, #tpu.memory_space<vmem>> -> memref<100xi32, #tpu.memory_space<vmem>>
    %dma_wait3A_197 = arith.constant 0 : i32
    %dma_wait3A_198 = tpu.memref_slice %arg3[%dma_wait3A_197] : memref<100000xi32, #tpu.memory_space<hbm>> -> memref<100000xi32, #tpu.memory_space<hbm>>
    tpu.wait_indirect_dma semaphore(%arg7 : memref<!tpu.dma_semaphore, #tpu.memory_space<semaphore_mem>>) src(%dma_wait3A_198 : memref<100000xi32, #tpu.memory_space<hbm>>) dst(%dma_wait3A_193 : memref<100xi32, #tpu.memory_space<vmem>>)
    %dma_wait3A_199 = arith.constant 4 : i32
    %dma_wait3A_200 = arith.constant 4 : i32
    %dma_wait3A_201 = arith.constant 0 : i32
    %dma_wait3A_202 = tpu.memref_slice %arg6[%dma_wait3A_200, %dma_wait3A_201] : memref<16x100xi32, #tpu.memory_space<vmem>> -> memref<1x100xi32, #tpu.memory_space<vmem>>
    %dma_wait3A_203 = tpu.memref_squeeze %dma_wait3A_202 : memref<1x100xi32, #tpu.memory_space<vmem>> -> memref<100xi32, #tpu.memory_space<vmem>>
    %dma_wait3A_204 = arith.constant 0 : i32
    %dma_wait3A_205 = tpu.memref_slice %arg5[%dma_wait3A_199, %dma_wait3A_204] : memref<16x100xi32, #tpu.memory_space<vmem>> -> memref<1x100xi32, #tpu.memory_space<vmem>>
    %dma_wait3A_206 = tpu.memref_squeeze %dma_wait3A_205 : memref<1x100xi32, #tpu.memory_space<vmem>> -> memref<100xi32, #tpu.memory_space<vmem>>
    %dma_wait3A_207 = arith.constant 0 : i32
    %dma_wait3A_208 = tpu.memref_slice %arg3[%dma_wait3A_207] : memref<100000xi32, #tpu.memory_space<hbm>> -> memref<100000xi32, #tpu.memory_space<hbm>>
    tpu.wait_indirect_dma semaphore(%arg7 : memref<!tpu.dma_semaphore, #tpu.memory_space<semaphore_mem>>) src(%dma_wait3A_208 : memref<100000xi32, #tpu.memory_space<hbm>>) dst(%dma_wait3A_203 : memref<100xi32, #tpu.memory_space<vmem>>)
    %dma_wait3A_209 = arith.constant 5 : i32
    %dma_wait3A_210 = arith.constant 5 : i32
    %dma_wait3A_211 = arith.constant 0 : i32
    %dma_wait3A_212 = tpu.memref_slice %arg6[%dma_wait3A_210, %dma_wait3A_211] : memref<16x100xi32, #tpu.memory_space<vmem>> -> memref<1x100xi32, #tpu.memory_space<vmem>>
    %dma_wait3A_213 = tpu.memref_squeeze %dma_wait3A_212 : memref<1x100xi32, #tpu.memory_space<vmem>> -> memref<100xi32, #tpu.memory_space<vmem>>
    %dma_wait3A_214 = arith.constant 0 : i32
    %dma_wait3A_215 = tpu.memref_slice %arg5[%dma_wait3A_209, %dma_wait3A_214] : memref<16x100xi32, #tpu.memory_space<vmem>> -> memref<1x100xi32, #tpu.memory_space<vmem>>
    %dma_wait3A_216 = tpu.memref_squeeze %dma_wait3A_215 : memref<1x100xi32, #tpu.memory_space<vmem>> -> memref<100xi32, #tpu.memory_space<vmem>>
    %dma_wait3A_217 = arith.constant 0 : i32
    %dma_wait3A_218 = tpu.memref_slice %arg3[%dma_wait3A_217] : memref<100000xi32, #tpu.memory_space<hbm>> -> memref<100000xi32, #tpu.memory_space<hbm>>
    tpu.wait_indirect_dma semaphore(%arg7 : memref<!tpu.dma_semaphore, #tpu.memory_space<semaphore_mem>>) src(%dma_wait3A_218 : memref<100000xi32, #tpu.memory_space<hbm>>) dst(%dma_wait3A_213 : memref<100xi32, #tpu.memory_space<vmem>>)
    %dma_wait3A_219 = arith.constant 6 : i32
    %dma_wait3A_220 = arith.constant 6 : i32
    %dma_wait3A_221 = arith.constant 0 : i32
    %dma_wait3A_222 = tpu.memref_slice %arg6[%dma_wait3A_220, %dma_wait3A_221] : memref<16x100xi32, #tpu.memory_space<vmem>> -> memref<1x100xi32, #tpu.memory_space<vmem>>
    %dma_wait3A_223 = tpu.memref_squeeze %dma_wait3A_222 : memref<1x100xi32, #tpu.memory_space<vmem>> -> memref<100xi32, #tpu.memory_space<vmem>>
    %dma_wait3A_224 = arith.constant 0 : i32
    %dma_wait3A_225 = tpu.memref_slice %arg5[%dma_wait3A_219, %dma_wait3A_224] : memref<16x100xi32, #tpu.memory_space<vmem>> -> memref<1x100xi32, #tpu.memory_space<vmem>>
    %dma_wait3A_226 = tpu.memref_squeeze %dma_wait3A_225 : memref<1x100xi32, #tpu.memory_space<vmem>> -> memref<100xi32, #tpu.memory_space<vmem>>
    %dma_wait3A_227 = arith.constant 0 : i32
    %dma_wait3A_228 = tpu.memref_slice %arg3[%dma_wait3A_227] : memref<100000xi32, #tpu.memory_space<hbm>> -> memref<100000xi32, #tpu.memory_space<hbm>>
    tpu.wait_indirect_dma semaphore(%arg7 : memref<!tpu.dma_semaphore, #tpu.memory_space<semaphore_mem>>) src(%dma_wait3A_228 : memref<100000xi32, #tpu.memory_space<hbm>>) dst(%dma_wait3A_223 : memref<100xi32, #tpu.memory_space<vmem>>)
    %dma_wait3A_229 = arith.constant 7 : i32
    %dma_wait3A_230 = arith.constant 7 : i32
    %dma_wait3A_231 = arith.constant 0 : i32
    %dma_wait3A_232 = tpu.memref_slice %arg6[%dma_wait3A_230, %dma_wait3A_231] : memref<16x100xi32, #tpu.memory_space<vmem>> -> memref<1x100xi32, #tpu.memory_space<vmem>>
    %dma_wait3A_233 = tpu.memref_squeeze %dma_wait3A_232 : memref<1x100xi32, #tpu.memory_space<vmem>> -> memref<100xi32, #tpu.memory_space<vmem>>
    %dma_wait3A_234 = arith.constant 0 : i32
    %dma_wait3A_235 = tpu.memref_slice %arg5[%dma_wait3A_229, %dma_wait3A_234] : memref<16x100xi32, #tpu.memory_space<vmem>> -> memref<1x100xi32, #tpu.memory_space<vmem>>
    %dma_wait3A_236 = tpu.memref_squeeze %dma_wait3A_235 : memref<1x100xi32, #tpu.memory_space<vmem>> -> memref<100xi32, #tpu.memory_space<vmem>>
    %dma_wait3A_237 = arith.constant 0 : i32
    %dma_wait3A_238 = tpu.memref_slice %arg3[%dma_wait3A_237] : memref<100000xi32, #tpu.memory_space<hbm>> -> memref<100000xi32, #tpu.memory_space<hbm>>
    tpu.wait_indirect_dma semaphore(%arg7 : memref<!tpu.dma_semaphore, #tpu.memory_space<semaphore_mem>>) src(%dma_wait3A_238 : memref<100000xi32, #tpu.memory_space<hbm>>) dst(%dma_wait3A_233 : memref<100xi32, #tpu.memory_space<vmem>>)
    %dma_wait3A_239 = arith.constant 8 : i32
    %dma_wait3A_240 = arith.constant 8 : i32
    %dma_wait3A_241 = arith.constant 0 : i32
    %dma_wait3A_242 = tpu.memref_slice %arg6[%dma_wait3A_240, %dma_wait3A_241] : memref<16x100xi32, #tpu.memory_space<vmem>> -> memref<1x100xi32, #tpu.memory_space<vmem>>
    %dma_wait3A_243 = tpu.memref_squeeze %dma_wait3A_242 : memref<1x100xi32, #tpu.memory_space<vmem>> -> memref<100xi32, #tpu.memory_space<vmem>>
    %dma_wait3A_244 = arith.constant 0 : i32
    %dma_wait3A_245 = tpu.memref_slice %arg5[%dma_wait3A_239, %dma_wait3A_244] : memref<16x100xi32, #tpu.memory_space<vmem>> -> memref<1x100xi32, #tpu.memory_space<vmem>>
    %dma_wait3A_246 = tpu.memref_squeeze %dma_wait3A_245 : memref<1x100xi32, #tpu.memory_space<vmem>> -> memref<100xi32, #tpu.memory_space<vmem>>
    %dma_wait3A_247 = arith.constant 0 : i32
    %dma_wait3A_248 = tpu.memref_slice %arg3[%dma_wait3A_247] : memref<100000xi32, #tpu.memory_space<hbm>> -> memref<100000xi32, #tpu.memory_space<hbm>>
    tpu.wait_indirect_dma semaphore(%arg7 : memref<!tpu.dma_semaphore, #tpu.memory_space<semaphore_mem>>) src(%dma_wait3A_248 : memref<100000xi32, #tpu.memory_space<hbm>>) dst(%dma_wait3A_243 : memref<100xi32, #tpu.memory_space<vmem>>)
    %dma_wait3A_249 = arith.constant 9 : i32
    %dma_wait3A_250 = arith.constant 9 : i32
    %dma_wait3A_251 = arith.constant 0 : i32
    %dma_wait3A_252 = tpu.memref_slice %arg6[%dma_wait3A_250, %dma_wait3A_251] : memref<16x100xi32, #tpu.memory_space<vmem>> -> memref<1x100xi32, #tpu.memory_space<vmem>>
    %dma_wait3A_253 = tpu.memref_squeeze %dma_wait3A_252 : memref<1x100xi32, #tpu.memory_space<vmem>> -> memref<100xi32, #tpu.memory_space<vmem>>
    %dma_wait3A_254 = arith.constant 0 : i32
    %dma_wait3A_255 = tpu.memref_slice %arg5[%dma_wait3A_249, %dma_wait3A_254] : memref<16x100xi32, #tpu.memory_space<vmem>> -> memref<1x100xi32, #tpu.memory_space<vmem>>
    %dma_wait3A_256 = tpu.memref_squeeze %dma_wait3A_255 : memref<1x100xi32, #tpu.memory_space<vmem>> -> memref<100xi32, #tpu.memory_space<vmem>>
    %dma_wait3A_257 = arith.constant 0 : i32
    %dma_wait3A_258 = tpu.memref_slice %arg3[%dma_wait3A_257] : memref<100000xi32, #tpu.memory_space<hbm>> -> memref<100000xi32, #tpu.memory_space<hbm>>
    tpu.wait_indirect_dma semaphore(%arg7 : memref<!tpu.dma_semaphore, #tpu.memory_space<semaphore_mem>>) src(%dma_wait3A_258 : memref<100000xi32, #tpu.memory_space<hbm>>) dst(%dma_wait3A_253 : memref<100xi32, #tpu.memory_space<vmem>>)
    %dma_wait3A_259 = arith.constant 10 : i32
    %dma_wait3A_260 = arith.constant 10 : i32
    %dma_wait3A_261 = arith.constant 0 : i32
    %dma_wait3A_262 = tpu.memref_slice %arg6[%dma_wait3A_260, %dma_wait3A_261] : memref<16x100xi32, #tpu.memory_space<vmem>> -> memref<1x100xi32, #tpu.memory_space<vmem>>
    %dma_wait3A_263 = tpu.memref_squeeze %dma_wait3A_262 : memref<1x100xi32, #tpu.memory_space<vmem>> -> memref<100xi32, #tpu.memory_space<vmem>>
    %dma_wait3A_264 = arith.constant 0 : i32
    %dma_wait3A_265 = tpu.memref_slice %arg5[%dma_wait3A_259, %dma_wait3A_264] : memref<16x100xi32, #tpu.memory_space<vmem>> -> memref<1x100xi32, #tpu.memory_space<vmem>>
    %dma_wait3A_266 = tpu.memref_squeeze %dma_wait3A_265 : memref<1x100xi32, #tpu.memory_space<vmem>> -> memref<100xi32, #tpu.memory_space<vmem>>
    %dma_wait3A_267 = arith.constant 0 : i32
    %dma_wait3A_268 = tpu.memref_slice %arg3[%dma_wait3A_267] : memref<100000xi32, #tpu.memory_space<hbm>> -> memref<100000xi32, #tpu.memory_space<hbm>>
    tpu.wait_indirect_dma semaphore(%arg7 : memref<!tpu.dma_semaphore, #tpu.memory_space<semaphore_mem>>) src(%dma_wait3A_268 : memref<100000xi32, #tpu.memory_space<hbm>>) dst(%dma_wait3A_263 : memref<100xi32, #tpu.memory_space<vmem>>)
    %dma_wait3A_269 = arith.constant 11 : i32
    %dma_wait3A_270 = arith.constant 11 : i32
    %dma_wait3A_271 = arith.constant 0 : i32
    %dma_wait3A_272 = tpu.memref_slice %arg6[%dma_wait3A_270, %dma_wait3A_271] : memref<16x100xi32, #tpu.memory_space<vmem>> -> memref<1x100xi32, #tpu.memory_space<vmem>>
    %dma_wait3A_273 = tpu.memref_squeeze %dma_wait3A_272 : memref<1x100xi32, #tpu.memory_space<vmem>> -> memref<100xi32, #tpu.memory_space<vmem>>
    %dma_wait3A_274 = arith.constant 0 : i32
    %dma_wait3A_275 = tpu.memref_slice %arg5[%dma_wait3A_269, %dma_wait3A_274] : memref<16x100xi32, #tpu.memory_space<vmem>> -> memref<1x100xi32, #tpu.memory_space<vmem>>
    %dma_wait3A_276 = tpu.memref_squeeze %dma_wait3A_275 : memref<1x100xi32, #tpu.memory_space<vmem>> -> memref<100xi32, #tpu.memory_space<vmem>>
    %dma_wait3A_277 = arith.constant 0 : i32
    %dma_wait3A_278 = tpu.memref_slice %arg3[%dma_wait3A_277] : memref<100000xi32, #tpu.memory_space<hbm>> -> memref<100000xi32, #tpu.memory_space<hbm>>
    tpu.wait_indirect_dma semaphore(%arg7 : memref<!tpu.dma_semaphore, #tpu.memory_space<semaphore_mem>>) src(%dma_wait3A_278 : memref<100000xi32, #tpu.memory_space<hbm>>) dst(%dma_wait3A_273 : memref<100xi32, #tpu.memory_space<vmem>>)
    %dma_wait3A_279 = arith.constant 12 : i32
    %dma_wait3A_280 = arith.constant 12 : i32
    %dma_wait3A_281 = arith.constant 0 : i32
    %dma_wait3A_282 = tpu.memref_slice %arg6[%dma_wait3A_280, %dma_wait3A_281] : memref<16x100xi32, #tpu.memory_space<vmem>> -> memref<1x100xi32, #tpu.memory_space<vmem>>
    %dma_wait3A_283 = tpu.memref_squeeze %dma_wait3A_282 : memref<1x100xi32, #tpu.memory_space<vmem>> -> memref<100xi32, #tpu.memory_space<vmem>>
    %dma_wait3A_284 = arith.constant 0 : i32
    %dma_wait3A_285 = tpu.memref_slice %arg5[%dma_wait3A_279, %dma_wait3A_284] : memref<16x100xi32, #tpu.memory_space<vmem>> -> memref<1x100xi32, #tpu.memory_space<vmem>>
    %dma_wait3A_286 = tpu.memref_squeeze %dma_wait3A_285 : memref<1x100xi32, #tpu.memory_space<vmem>> -> memref<100xi32, #tpu.memory_space<vmem>>
    %dma_wait3A_287 = arith.constant 0 : i32
    %dma_wait3A_288 = tpu.memref_slice %arg3[%dma_wait3A_287] : memref<100000xi32, #tpu.memory_space<hbm>> -> memref<100000xi32, #tpu.memory_space<hbm>>
    tpu.wait_indirect_dma semaphore(%arg7 : memref<!tpu.dma_semaphore, #tpu.memory_space<semaphore_mem>>) src(%dma_wait3A_288 : memref<100000xi32, #tpu.memory_space<hbm>>) dst(%dma_wait3A_283 : memref<100xi32, #tpu.memory_space<vmem>>)
    %dma_wait3A_289 = arith.constant 13 : i32
    %dma_wait3A_290 = arith.constant 13 : i32
    %dma_wait3A_291 = arith.constant 0 : i32
    %dma_wait3A_292 = tpu.memref_slice %arg6[%dma_wait3A_290, %dma_wait3A_291] : memref<16x100xi32, #tpu.memory_space<vmem>> -> memref<1x100xi32, #tpu.memory_space<vmem>>
    %dma_wait3A_293 = tpu.memref_squeeze %dma_wait3A_292 : memref<1x100xi32, #tpu.memory_space<vmem>> -> memref<100xi32, #tpu.memory_space<vmem>>
    %dma_wait3A_294 = arith.constant 0 : i32
    %dma_wait3A_295 = tpu.memref_slice %arg5[%dma_wait3A_289, %dma_wait3A_294] : memref<16x100xi32, #tpu.memory_space<vmem>> -> memref<1x100xi32, #tpu.memory_space<vmem>>
    %dma_wait3A_296 = tpu.memref_squeeze %dma_wait3A_295 : memref<1x100xi32, #tpu.memory_space<vmem>> -> memref<100xi32, #tpu.memory_space<vmem>>
    %dma_wait3A_297 = arith.constant 0 : i32
    %dma_wait3A_298 = tpu.memref_slice %arg3[%dma_wait3A_297] : memref<100000xi32, #tpu.memory_space<hbm>> -> memref<100000xi32, #tpu.memory_space<hbm>>
    tpu.wait_indirect_dma semaphore(%arg7 : memref<!tpu.dma_semaphore, #tpu.memory_space<semaphore_mem>>) src(%dma_wait3A_298 : memref<100000xi32, #tpu.memory_space<hbm>>) dst(%dma_wait3A_293 : memref<100xi32, #tpu.memory_space<vmem>>)
    %dma_wait3A_299 = arith.constant 14 : i32
    %dma_wait3A_300 = arith.constant 14 : i32
    %dma_wait3A_301 = arith.constant 0 : i32
    %dma_wait3A_302 = tpu.memref_slice %arg6[%dma_wait3A_300, %dma_wait3A_301] : memref<16x100xi32, #tpu.memory_space<vmem>> -> memref<1x100xi32, #tpu.memory_space<vmem>>
    %dma_wait3A_303 = tpu.memref_squeeze %dma_wait3A_302 : memref<1x100xi32, #tpu.memory_space<vmem>> -> memref<100xi32, #tpu.memory_space<vmem>>
    %dma_wait3A_304 = arith.constant 0 : i32
    %dma_wait3A_305 = tpu.memref_slice %arg5[%dma_wait3A_299, %dma_wait3A_304] : memref<16x100xi32, #tpu.memory_space<vmem>> -> memref<1x100xi32, #tpu.memory_space<vmem>>
    %dma_wait3A_306 = tpu.memref_squeeze %dma_wait3A_305 : memref<1x100xi32, #tpu.memory_space<vmem>> -> memref<100xi32, #tpu.memory_space<vmem>>
    %dma_wait3A_307 = arith.constant 0 : i32
    %dma_wait3A_308 = tpu.memref_slice %arg3[%dma_wait3A_307] : memref<100000xi32, #tpu.memory_space<hbm>> -> memref<100000xi32, #tpu.memory_space<hbm>>
    tpu.wait_indirect_dma semaphore(%arg7 : memref<!tpu.dma_semaphore, #tpu.memory_space<semaphore_mem>>) src(%dma_wait3A_308 : memref<100000xi32, #tpu.memory_space<hbm>>) dst(%dma_wait3A_303 : memref<100xi32, #tpu.memory_space<vmem>>)
    %dma_wait3A_309 = arith.constant 15 : i32
    %dma_wait3A_310 = arith.constant 15 : i32
    %dma_wait3A_311 = arith.constant 0 : i32
    %dma_wait3A_312 = tpu.memref_slice %arg6[%dma_wait3A_310, %dma_wait3A_311] : memref<16x100xi32, #tpu.memory_space<vmem>> -> memref<1x100xi32, #tpu.memory_space<vmem>>
    %dma_wait3A_313 = tpu.memref_squeeze %dma_wait3A_312 : memref<1x100xi32, #tpu.memory_space<vmem>> -> memref<100xi32, #tpu.memory_space<vmem>>
    %dma_wait3A_314 = arith.constant 0 : i32
    %dma_wait3A_315 = tpu.memref_slice %arg5[%dma_wait3A_309, %dma_wait3A_314] : memref<16x100xi32, #tpu.memory_space<vmem>> -> memref<1x100xi32, #tpu.memory_space<vmem>>
    %dma_wait3A_316 = tpu.memref_squeeze %dma_wait3A_315 : memref<1x100xi32, #tpu.memory_space<vmem>> -> memref<100xi32, #tpu.memory_space<vmem>>
    %dma_wait3A_317 = arith.constant 0 : i32
    %dma_wait3A_318 = tpu.memref_slice %arg3[%dma_wait3A_317] : memref<100000xi32, #tpu.memory_space<hbm>> -> memref<100000xi32, #tpu.memory_space<hbm>>
    tpu.wait_indirect_dma semaphore(%arg7 : memref<!tpu.dma_semaphore, #tpu.memory_space<semaphore_mem>>) src(%dma_wait3A_318 : memref<100000xi32, #tpu.memory_space<hbm>>) dst(%dma_wait3A_313 : memref<100xi32, #tpu.memory_space<vmem>>)
    "tpu.region"() ({
      %run_scoped3A = tpu.sem_alloc : memref<!tpu.dma_semaphore, #tpu.memory_space<semaphore_mem>>
      %dma_start3A_319 = arith.constant 0 : i32
      %dma_start3A_320 = arith.constant 0 : i32
      %dma_start3A_321 = tpu.memref_slice %arg4[%add3A, %dma_start3A_319, %dma_start3A_320] : memref<32x16x100xi32, #tpu.memory_space<hbm>> -> memref<1x16x100xi32, #tpu.memory_space<hbm>>
      %dma_start3A_322 = tpu.memref_squeeze %dma_start3A_321 : memref<1x16x100xi32, #tpu.memory_space<hbm>> -> memref<16x100xi32, #tpu.memory_space<hbm>>
      %dma_start3A_323 = arith.constant 0 : i32
      %dma_start3A_324 = arith.constant 0 : i32
      %dma_start3A_325 = tpu.memref_slice %arg4[%add3A, %dma_start3A_323, %dma_start3A_324] : memref<32x16x100xi32, #tpu.memory_space<hbm>> -> memref<1x16x100xi32, #tpu.memory_space<hbm>>
      %dma_start3A_326 = tpu.memref_squeeze %dma_start3A_325 : memref<1x16x100xi32, #tpu.memory_space<hbm>> -> memref<16x100xi32, #tpu.memory_space<hbm>>
      tpu.enqueue_dma source(%arg6 : memref<16x100xi32, #tpu.memory_space<vmem>>) target(%dma_start3A_326 : memref<16x100xi32, #tpu.memory_space<hbm>>) target_semaphore(%run_scoped3A : memref<!tpu.dma_semaphore, #tpu.memory_space<semaphore_mem>>)
      %dma_wait3A_327 = arith.constant 0 : i32
      %dma_wait3A_328 = arith.constant 0 : i32
      %dma_wait3A_329 = tpu.memref_slice %arg4[%add3A, %dma_wait3A_327, %dma_wait3A_328] : memref<32x16x100xi32, #tpu.memory_space<hbm>> -> memref<1x16x100xi32, #tpu.memory_space<hbm>>
      %dma_wait3A_330 = tpu.memref_squeeze %dma_wait3A_329 : memref<1x16x100xi32, #tpu.memory_space<hbm>> -> memref<16x100xi32, #tpu.memory_space<hbm>>
      %dma_wait3A_331 = arith.constant 0 : i32
      %dma_wait3A_332 = arith.constant 0 : i32
      %dma_wait3A_333 = tpu.memref_slice %arg4[%add3A, %dma_wait3A_331, %dma_wait3A_332] : memref<32x16x100xi32, #tpu.memory_space<hbm>> -> memref<1x16x100xi32, #tpu.memory_space<hbm>>
      %dma_wait3A_334 = tpu.memref_squeeze %dma_wait3A_333 : memref<1x16x100xi32, #tpu.memory_space<hbm>> -> memref<16x100xi32, #tpu.memory_space<hbm>>
      tpu.wait_dma2 semaphore(%run_scoped3A : memref<!tpu.dma_semaphore, #tpu.memory_space<semaphore_mem>>) src(%arg6 : memref<16x100xi32, #tpu.memory_space<vmem>>) dst(%dma_wait3A_334 : memref<16x100xi32, #tpu.memory_space<hbm>>)
      tpu.yield
    }) : () -> ()
    return
  }
}

module attributes {stable_mosaic.version = 14 : i64} {
  func.func @_main_body(%arg0: i32, %arg1: memref<1x1x1024xi32, #tpu.memory_space<vmem>>, %arg2: memref<1024x1024xf32, #tpu.memory_space<vmem>>, %arg3: memref<1024x64xf32, #tpu.memory_space<vmem>>, %arg4: memref<64x1000xf32, #tpu.memory_space<vmem>>, %arg5: memref<1024x1024xf32, #tpu.memory_space<vmem>>) attributes {dimension_semantics = [#tpu.dimension_semantics<arbitrary>], iteration_bounds = array<i64: 98>, scalar_prefetch = 0 : i64, scratch_operands = 0 : i64, tpu.core_type = #tpu.core_type<tc>, window_params = [{transform_indices = @transform_0, window_bounds = array<i64: 1, 1, 1024>}, {transform_indices = @transform_1, window_bounds = array<i64: 1024, 1024>}, {pipeline_mode = #tpu.pipeline_mode<synchronous>, transform_indices = @transform_2, window_bounds = array<i64: 1024, 64>}, {pipeline_mode = #tpu.pipeline_mode<synchronous>, transform_indices = @transform_3, window_bounds = array<i64: 64, 1000>}, {transform_indices = @transform_4, window_bounds = array<i64: 1024, 1024>}]} {
    %get3A = arith.constant 0 : index
    %get3A_0 = arith.constant 0 : index
    %get3A_1 = arith.constant 0 : index
    %get3A_2 = vector.load %arg1[%get3A, %get3A_0, %get3A_1] : memref<1x1x1024xi32, #tpu.memory_space<vmem>>, vector<1x1x1024xi32>
    %get3A_3 = vector.shape_cast %get3A_2 : vector<1x1x1024xi32> to vector<1x1024xi32>
    %iota3A = tpu.iota {dimensions = array<i32: 0>} : vector<1000x1xi32>
    %eq3A = vector.broadcast %get3A_3 : vector<1x1024xi32> to vector<1000x1024xi32>
    %eq3A_4 = vector.broadcast %iota3A : vector<1000x1xi32> to vector<1000x1024xi32>
    %eq3A_5 = arith.cmpi eq, %eq3A, %eq3A_4 : vector<1000x1024xi32>
    %convert_element_type3A = arith.extui %eq3A_5 : vector<1000x1024xi1> to vector<1000x1024xi32>
    %convert_element_type3A_6 = arith.sitofp %convert_element_type3A : vector<1000x1024xi32> to vector<1000x1024xf32>
    %convert_element_type3A_7 = arith.truncf %convert_element_type3A_6 : vector<1000x1024xf32> to vector<1000x1024xbf16>
    %get3A_8 = arith.constant 0 : index
    %get3A_9 = arith.constant 0 : index
    %get3A_10 = vector.load %arg4[%get3A_8, %get3A_9] : memref<64x1000xf32, #tpu.memory_space<vmem>>, vector<64x1000xf32>
    %convert_element_type3A_11 = arith.truncf %get3A_10 : vector<64x1000xf32> to vector<64x1000xbf16>
    %dot_general3A = arith.constant dense<0.000000e+00> : vector<64x1024xf32>
    %dot_general3A_12 = tpu.matmul %convert_element_type3A_11, %convert_element_type3A_7, %dot_general3A {dimension_numbers = #tpu.dot_dimension_numbers<[1], [0], [0], [1], [0, 0, 1, 1], [], []>, transpose_lhs_hint = false} : vector<64x1000xbf16>, vector<1000x1024xbf16>, vector<64x1024xf32> -> vector<64x1024xf32>
    %get3A_13 = arith.constant 0 : index
    %get3A_14 = arith.constant 0 : index
    %get3A_15 = vector.load %arg3[%get3A_13, %get3A_14] : memref<1024x64xf32, #tpu.memory_space<vmem>>, vector<1024x64xf32>
    %convert_element_type3A_16 = arith.truncf %get3A_15 : vector<1024x64xf32> to vector<1024x64xbf16>
    %convert_element_type3A_17 = arith.truncf %dot_general3A_12 : vector<64x1024xf32> to vector<64x1024xbf16>
    %dot_general3A_18 = arith.constant dense<0.000000e+00> : vector<1024x1024xf32>
    %dot_general3A_19 = tpu.matmul %convert_element_type3A_16, %convert_element_type3A_17, %dot_general3A_18 {dimension_numbers = #tpu.dot_dimension_numbers<[1], [0], [0], [1], [0, 0, 1, 1], [], []>, transpose_lhs_hint = false} : vector<1024x64xbf16>, vector<64x1024xbf16>, vector<1024x1024xf32> -> vector<1024x1024xf32>
    %get3A_20 = arith.constant 0 : index
    %get3A_21 = arith.constant 0 : index
    %get3A_22 = vector.load %arg2[%get3A_20, %get3A_21] : memref<1024x1024xf32, #tpu.memory_space<vmem>>, vector<1024x1024xf32>
    %add3A = arith.addf %get3A_22, %dot_general3A_19 : vector<1024x1024xf32>
    %swap3A = arith.constant 0 : index
    %swap3A_23 = arith.constant 0 : index
    %swap3A_24 = vector.load %arg5[%swap3A, %swap3A_23] : memref<1024x1024xf32, #tpu.memory_space<vmem>>, vector<1024x1024xf32>
    tpu.vector_store %arg5[%swap3A, %swap3A_23], %add3A {strides = array<i32>} : memref<1024x1024xf32, #tpu.memory_space<vmem>>, vector<1024x1024xf32>,
    return
  }
  func.func @transform_0(%arg0: i32) -> (i32, i32, i32) {
    %c0_i32 = arith.constant 0 : i32
    %c0_i32_0 = arith.constant 0 : i32
    %c0_i32_1 = arith.constant 0 : i32
    return %arg0, %c0_i32, %c0_i32_0 : i32, i32, i32
  }
  func.func @transform_1(%arg0: i32) -> (i32, i32) {
    %c0_i32 = arith.constant 0 : i32
    %c0_i32_0 = arith.constant 0 : i32
    return %c0_i32, %arg0 : i32, i32
  }
  func.func @transform_2(%arg0: i32) -> (i32, i32) {
    %c0_i32 = arith.constant 0 : i32
    %c0_i32_0 = arith.constant 0 : i32
    %c0_i32_1 = arith.constant 0 : i32
    return %c0_i32, %c0_i32_0 : i32, i32
  }
  func.func @transform_3(%arg0: i32) -> (i32, i32) {
    %c0_i32 = arith.constant 0 : i32
    %c0_i32_0 = arith.constant 0 : i32
    %c0_i32_1 = arith.constant 0 : i32
    return %c0_i32, %c0_i32_0 : i32, i32
  }
  func.func @transform_4(%arg0: i32) -> (i32, i32) {
    %c0_i32 = arith.constant 0 : i32
    %c0_i32_0 = arith.constant 0 : i32
    return %c0_i32, %arg0 : i32, i32
  }
}

module attributes {stable_mosaic.version = 14 : i64} {
  func.func @_pref_body(%arg0: i32, %arg1: memref<128x56xi32, #tpu.memory_space<vmem>>, %arg2: memref<128x1xi32, #tpu.memory_space<vmem>>, %arg3: memref<1000x64xf32, #tpu.memory_space<vmem>>, %arg4: memref<1x1xf32, #tpu.memory_space<vmem>>, %arg5: memref<128x64xf32, #tpu.memory_space<vmem>>, %arg6: memref<128x1000xf32, #tpu.memory_space<vmem>>) attributes {dimension_semantics = [#tpu.dimension_semantics<arbitrary>], iteration_bounds = array<i64: 8>, scalar_prefetch = 0 : i64, scratch_operands = 1 : i64, tpu.core_type = #tpu.core_type<tc>, window_params = [{transform_indices = @transform_0, window_bounds = array<i64: 128, 56>}, {transform_indices = @transform_1, window_bounds = array<i64: 128, 1>}, {pipeline_mode = #tpu.pipeline_mode<synchronous>, transform_indices = @transform_2, window_bounds = array<i64: 1000, 64>}, {pipeline_mode = #tpu.pipeline_mode<synchronous>, transform_indices = @transform_3, window_bounds = array<i64: 1, 1>}, {transform_indices = @transform_4, window_bounds = array<i64: 128, 64>}]} {
    %get3A = arith.constant 0 : index
    %get3A_0 = arith.constant 0 : index
    %get3A_1 = vector.load %arg2[%get3A, %get3A_0] : memref<128x1xi32, #tpu.memory_space<vmem>>, vector<128x1xi32>
    %sub3A = arith.constant 10 : i32
    %sub3A_2 = vector.broadcast %sub3A : i32 to vector<128x1xi32>
    %sub3A_3 = arith.subi %get3A_1, %sub3A_2 : vector<128x1xi32>
    %max3A = arith.constant 0 : i32
    %max3A_4 = vector.broadcast %max3A : i32 to vector<128x1xi32>
    %max3A_5 = arith.maxsi %sub3A_3, %max3A_4 : vector<128x1xi32>
    %sub3A_6 = arith.subi %get3A_1, %max3A_5 : vector<128x1xi32>
    %max3A_7 = arith.constant 1 : i32
    %max3A_8 = vector.broadcast %max3A_7 : i32 to vector<128x1xi32>
    %max3A_9 = arith.maxsi %sub3A_6, %max3A_8 : vector<128x1xi32>
    %convert_element_type3A = arith.sitofp %max3A_9 : vector<128x1xi32> to vector<128x1xf32>
    %get3A_10 = arith.constant 0 : index
    %get3A_11 = arith.constant 0 : index
    %get3A_12 = vector.load %arg4[%get3A_10, %get3A_11] : memref<1x1xf32, #tpu.memory_space<vmem>>, vector<1x1xf32>
    %div3A = vector.broadcast %get3A_12 : vector<1x1xf32> to vector<128x1xf32>
    %div3A_13 = arith.divf %div3A, %convert_element_type3A : vector<128x1xf32>
    %iota3A = tpu.iota {dimensions = array<i32: 1>} : vector<1x1000xi32>
    %iota3A_14 = tpu.iota {dimensions = array<i32: 1>} : vector<1x56xi32>
    %get3A_15 = arith.constant 0 : index
    %get3A_16 = arith.constant 0 : index
    %get3A_17 = vector.load %arg1[%get3A_15, %get3A_16] : memref<128x56xi32, #tpu.memory_space<vmem>>, vector<128x56xi32>
    %broadcast_in_dim3A = arith.constant 0.000000e+00 : f32
    %broadcast_in_dim3A_18 = vector.broadcast %broadcast_in_dim3A : f32 to vector<128x1000xf32>
    %swap3A = arith.constant 0 : index
    %swap3A_19 = arith.constant 0 : index
    %swap3A_20 = vector.load %arg6[%swap3A, %swap3A_19] : memref<128x1000xf32, #tpu.memory_space<vmem>>, vector<128x1000xf32>
    tpu.vector_store %arg6[%swap3A, %swap3A_19], %broadcast_in_dim3A_18 {strides = array<i32>} : memref<128x1000xf32, #tpu.memory_space<vmem>>, vector<128x1000xf32>,
    %while3A = arith.constant 0 : i32
    %while3A_21 = arith.constant 0 : i32
    %while3A_22 = arith.constant 50 : i32
    %while3A_23 = arith.subi %while3A_22, %while3A_21 : i32
    %while3A_24 = arith.addi %while3A_21, %while3A_23 : i32
    %while3A_25 = arith.constant 1 : i32
    %while3A_26 = arith.divsi %while3A_23, %while3A_25 : i32
    %while3A_27 = arith.muli %while3A_26, %while3A_25 : i32
    %while3A_28 = arith.addi %while3A_21, %while3A_27 : i32
    %while3A_29 = arith.constant 1 : i32
    scf.for %while3A_41 = %while3A_21 to %while3A_28 step %while3A_29  : i32 {
      %eq3A = vector.broadcast %while3A_41 : i32 to vector<1x56xi32>
      %eq3A_42 = arith.cmpi eq, %iota3A_14, %eq3A : vector<1x56xi32>
      %jit3A = arith.constant 0 : i32
      %broadcast_in_dim3A_43 = vector.shape_cast %eq3A_42 : vector<1x56xi1> to vector<1x56xi1>
      %broadcast_in_dim3A_44 = vector.broadcast %broadcast_in_dim3A_43 : vector<1x56xi1> to vector<128x56xi1>
      %broadcast_in_dim3A_45 = vector.broadcast %jit3A : i32 to vector<128x56xi32>
      %select_n3A = arith.select %broadcast_in_dim3A_44, %get3A_17, %broadcast_in_dim3A_45 : vector<128x56xi1>, vector<128x56xi32>
      %reduce_sum3A = arith.constant dense<0> : vector<128xi32>
      %reduce_sum3A_46 = vector.multi_reduction <add>, %select_n3A, %reduce_sum3A [1] : vector<128x56xi32> to vector<128xi32>
      %broadcast_in_dim3A_47 = vector.shape_cast %reduce_sum3A_46 : vector<128xi32> to vector<128x1xi32>
      %ge3A = vector.broadcast %while3A_41 : i32 to vector<128x1xi32>
      %ge3A_48 = arith.cmpi sge, %ge3A, %max3A_5 : vector<128x1xi32>
      %lt3A = vector.broadcast %while3A_41 : i32 to vector<128x1xi32>
      %lt3A_49 = arith.cmpi slt, %lt3A, %get3A_1 : vector<128x1xi32>
      %and3A = arith.andi %ge3A_48, %lt3A_49 : vector<128x1xi1>
      %jit3A_50 = arith.constant 0.000000e+00 : f64
      %convert_element_type3A_51 = arith.truncf %jit3A_50 : f64 to f32
      %broadcast_in_dim3A_52 = vector.broadcast %convert_element_type3A_51 : f32 to vector<128x1xf32>
      %select_n3A_53 = arith.select %and3A, %div3A_13, %broadcast_in_dim3A_52 : vector<128x1xi1>, vector<128x1xf32>
      %eq3A_54 = vector.broadcast %broadcast_in_dim3A_47 : vector<128x1xi32> to vector<128x1000xi32>
      %eq3A_55 = vector.broadcast %iota3A : vector<1x1000xi32> to vector<128x1000xi32>
      %eq3A_56 = arith.cmpi eq, %eq3A_54, %eq3A_55 : vector<128x1000xi32>
      %convert_element_type3A_57 = arith.extui %eq3A_56 : vector<128x1000xi1> to vector<128x1000xi32>
      %convert_element_type3A_58 = arith.sitofp %convert_element_type3A_57 : vector<128x1000xi32> to vector<128x1000xf32>
      %get3A_59 = arith.constant 0 : index
      %get3A_60 = arith.constant 0 : index
      %get3A_61 = vector.load %arg6[%get3A_59, %get3A_60] : memref<128x1000xf32, #tpu.memory_space<vmem>>, vector<128x1000xf32>
      %mul3A = vector.broadcast %select_n3A_53 : vector<128x1xf32> to vector<128x1000xf32>
      %mul3A_62 = arith.mulf %mul3A, %convert_element_type3A_58 : vector<128x1000xf32>
      %add3A = arith.addf %get3A_61, %mul3A_62 : vector<128x1000xf32>
      %swap3A_63 = arith.constant 0 : index
      %swap3A_64 = arith.constant 0 : index
      %swap3A_65 = vector.load %arg6[%swap3A_63, %swap3A_64] : memref<128x1000xf32, #tpu.memory_space<vmem>>, vector<128x1000xf32>
      tpu.vector_store %arg6[%swap3A_63, %swap3A_64], %add3A {strides = array<i32>} : memref<128x1000xf32, #tpu.memory_space<vmem>>, vector<128x1000xf32>,
    }
    %while3A_30 = arith.constant 1 : i32
    scf.for %while3A_41 = %while3A_28 to %while3A_24 step %while3A_30  : i32 {
      %eq3A = vector.broadcast %while3A_41 : i32 to vector<1x56xi32>
      %eq3A_42 = arith.cmpi eq, %iota3A_14, %eq3A : vector<1x56xi32>
      %jit3A = arith.constant 0 : i32
      %broadcast_in_dim3A_43 = vector.shape_cast %eq3A_42 : vector<1x56xi1> to vector<1x56xi1>
      %broadcast_in_dim3A_44 = vector.broadcast %broadcast_in_dim3A_43 : vector<1x56xi1> to vector<128x56xi1>
      %broadcast_in_dim3A_45 = vector.broadcast %jit3A : i32 to vector<128x56xi32>
      %select_n3A = arith.select %broadcast_in_dim3A_44, %get3A_17, %broadcast_in_dim3A_45 : vector<128x56xi1>, vector<128x56xi32>
      %reduce_sum3A = arith.constant dense<0> : vector<128xi32>
      %reduce_sum3A_46 = vector.multi_reduction <add>, %select_n3A, %reduce_sum3A [1] : vector<128x56xi32> to vector<128xi32>
      %broadcast_in_dim3A_47 = vector.shape_cast %reduce_sum3A_46 : vector<128xi32> to vector<128x1xi32>
      %ge3A = vector.broadcast %while3A_41 : i32 to vector<128x1xi32>
      %ge3A_48 = arith.cmpi sge, %ge3A, %max3A_5 : vector<128x1xi32>
      %lt3A = vector.broadcast %while3A_41 : i32 to vector<128x1xi32>
      %lt3A_49 = arith.cmpi slt, %lt3A, %get3A_1 : vector<128x1xi32>
      %and3A = arith.andi %ge3A_48, %lt3A_49 : vector<128x1xi1>
      %jit3A_50 = arith.constant 0.000000e+00 : f64
      %convert_element_type3A_51 = arith.truncf %jit3A_50 : f64 to f32
      %broadcast_in_dim3A_52 = vector.broadcast %convert_element_type3A_51 : f32 to vector<128x1xf32>
      %select_n3A_53 = arith.select %and3A, %div3A_13, %broadcast_in_dim3A_52 : vector<128x1xi1>, vector<128x1xf32>
      %eq3A_54 = vector.broadcast %broadcast_in_dim3A_47 : vector<128x1xi32> to vector<128x1000xi32>
      %eq3A_55 = vector.broadcast %iota3A : vector<1x1000xi32> to vector<128x1000xi32>
      %eq3A_56 = arith.cmpi eq, %eq3A_54, %eq3A_55 : vector<128x1000xi32>
      %convert_element_type3A_57 = arith.extui %eq3A_56 : vector<128x1000xi1> to vector<128x1000xi32>
      %convert_element_type3A_58 = arith.sitofp %convert_element_type3A_57 : vector<128x1000xi32> to vector<128x1000xf32>
      %get3A_59 = arith.constant 0 : index
      %get3A_60 = arith.constant 0 : index
      %get3A_61 = vector.load %arg6[%get3A_59, %get3A_60] : memref<128x1000xf32, #tpu.memory_space<vmem>>, vector<128x1000xf32>
      %mul3A = vector.broadcast %select_n3A_53 : vector<128x1xf32> to vector<128x1000xf32>
      %mul3A_62 = arith.mulf %mul3A, %convert_element_type3A_58 : vector<128x1000xf32>
      %add3A = arith.addf %get3A_61, %mul3A_62 : vector<128x1000xf32>
      %swap3A_63 = arith.constant 0 : index
      %swap3A_64 = arith.constant 0 : index
      %swap3A_65 = vector.load %arg6[%swap3A_63, %swap3A_64] : memref<128x1000xf32, #tpu.memory_space<vmem>>, vector<128x1000xf32>
      tpu.vector_store %arg6[%swap3A_63, %swap3A_64], %add3A {strides = array<i32>} : memref<128x1000xf32, #tpu.memory_space<vmem>>, vector<128x1000xf32>,
    }
    %get3A_31 = arith.constant 0 : index
    %get3A_32 = arith.constant 0 : index
    %get3A_33 = vector.load %arg6[%get3A_31, %get3A_32] : memref<128x1000xf32, #tpu.memory_space<vmem>>, vector<128x1000xf32>
    %get3A_34 = arith.constant 0 : index
    %get3A_35 = arith.constant 0 : index
    %get3A_36 = vector.load %arg3[%get3A_34, %get3A_35] : memref<1000x64xf32, #tpu.memory_space<vmem>>, vector<1000x64xf32>
    %dot_general3A = arith.constant dense<0.000000e+00> : vector<128x64xf32>
    %dot_general3A_37 = tpu.matmul %get3A_33, %get3A_36, %dot_general3A {dimension_numbers = #tpu.dot_dimension_numbers<[1], [0], [0], [1], [0, 0, 1, 1], [], []>, transpose_lhs_hint = false} : vector<128x1000xf32>, vector<1000x64xf32>, vector<128x64xf32> -> vector<128x64xf32>
    %swap3A_38 = arith.constant 0 : index
    %swap3A_39 = arith.constant 0 : index
    %swap3A_40 = vector.load %arg5[%swap3A_38, %swap3A_39] : memref<128x64xf32, #tpu.memory_space<vmem>>, vector<128x64xf32>
    tpu.vector_store %arg5[%swap3A_38, %swap3A_39], %dot_general3A_37 {strides = array<i32>} : memref<128x64xf32, #tpu.memory_space<vmem>>, vector<128x64xf32>,
    return
  }
  func.func @transform_0(%arg0: i32) -> (i32, i32) {
    %c0_i32 = arith.constant 0 : i32
    %c0_i32_0 = arith.constant 0 : i32
    return %arg0, %c0_i32 : i32, i32
  }
  func.func @transform_1(%arg0: i32) -> (i32, i32) {
    %c0_i32 = arith.constant 0 : i32
    %c0_i32_0 = arith.constant 0 : i32
    return %arg0, %c0_i32 : i32, i32
  }
  func.func @transform_2(%arg0: i32) -> (i32, i32) {
    %c0_i32 = arith.constant 0 : i32
    %c0_i32_0 = arith.constant 0 : i32
    %c0_i32_1 = arith.constant 0 : i32
    return %c0_i32, %c0_i32_0 : i32, i32
  }
  func.func @transform_3(%arg0: i32) -> (i32, i32) {
    %c0_i32 = arith.constant 0 : i32
    %c0_i32_0 = arith.constant 0 : i32
    %c0_i32_1 = arith.constant 0 : i32
    return %c0_i32, %c0_i32_0 : i32, i32
  }
  func.func @transform_4(%arg0: i32) -> (i32, i32) {
    %c0_i32 = arith.constant 0 : i32
    %c0_i32_0 = arith.constant 0 : i32
    return %arg0, %c0_i32 : i32, i32
  }
}

</mosaic_0001>

<sc_bundles>
// kernel: kernel.5.cloned.1.call-start
scs
__scs_entry_jumppad:
0x0: {  	(pc) =	sbr.rel $0x88, $3  }
0x1: {  	(tag) =	ssettag $0x0;
	lr =	simm.s32 $0x1  }
0x2: {  	[smem:$0x3F9B] =	sst lr;
	_ =	strace $0xD0000000  }
0x3: {  	_ = 	snop  }
0x4: {  	_ = 	snop  }
0x5: {  	_ = 	snop  }
0x6: {  	_ = 	snop  }
0x7: {  	_ = 	snop  }
__scs_overlays_trampoline_lowered:
0x8: {  	[smem:$0x3FAA] =	sst s0  }
0x9: {  	[smem:$0x3FAB] =	sst s1  }
0xa: {  	[smem:$0x3FAC] =	sst s2  }
0xb: {  	[smem:$0x3FAD] =	sst s3  }
0xc: {  	[smem:$0x3FAE] =	sst s4  }
0xd: {  	[smem:$0x3FAF] =	sst s5  }
0xe: {  	[smem:$0x3FB0] =	sst s6  }
0xf: {  	[smem:$0x3FB1] =	sst s7  }
0x10: {  	[smem:$0x3FB2] =	sst s8  }
0x11: {  	[smem:$0x3FB3] =	sst s9;
	s0 =	simm.s32 @!p0 $0x0  }
0x12: {  	s1 =	sld [smem:$0x3F99];
	s0 =	simm.s32 @p0 $0x1  }
0x13: {  	[smem:$0x3FB4] =	sst s0;
	s0 =	simm.s32 @!p1 $0x0  }
0x14: {  	s2 =	sld [smem:$0x3F98];
	s0 =	simm.s32 @p1 $0x1  }
0x15: {  	[smem:$0x3FB5] =	sst s0;
	s0 =	simm.s32 @!p2 $0x0  }
0x16: {  	s3 =	sld [smem:$0x3FDB];
	s0 =	simm.s32 @p2 $0x1  }
0x17: {  	s4 =	simm.s32 $0x1BF5;
	[smem:$0x3FB7] =	sst s0  }
0x18: {  	s0 =	sld [smem:$0x3F9A];
	_ =	swait.ge [sflag:s4], $0x0  }
0x19: {  	s7 =	sld [smem:$0x3F9B]  }
0x1a: {  	s8 =	sadd.s32 $0xFFFFE003, lr  }
0x1b: {  	s9 =	sadd.s32 $0xFFFFFEF7, lr;
	s5 =	simm.s32 $0xFFFFFFFF;
	p2 =	slt.u32 s8, $0xFFFFF086  }
0x1c: {  	p1 =	slt.u32 s9, $0xF7A;
	s5 =	simm.s32 @!p2 $0x0  }
0x1d: {  	s5 =	simm.s32 @p1 $0x1;
	p0 =	seq.s32 s7, s2  }
0x1e: {  	s7 =	smul.u32 @!p0 $0xF7A, s2;
	p2 =	seq.s32 @!p0 s5, $0x0  }
0x1f: {  	s9 =	smul.u32 $0xF7A, s1;
	s8 =	simm.s32 @!p0 $0x1BF5;
	p2 =	por !p2, p0  }
0x20: {  	[sflag:s8] =	ssyncset.s32 @!p0 $0xFFFFF086;
	s6 =	sadd.s32 @!p0 s3, s7;
	s7 =	simm.s32 @!p0 $0x108  }
0x21: {  	s3 =	sadd.s32 s3, s9;
	s6 =	sadd.s32 @!p0 $0x88, s6;
	s7 =	simm.s32 @p2 $0x1082  }
0x22: {  	[simem:s7], [sflag:s8] =	dma.local @!p0 [hbm:s6], $0xF7A  }
0x23: {  	s9 =	sor.u32 $0xD0000000, s2;
	s6 =	simm.s32 $0x108;
	_ =	swait.ge @!p0 [sflag:s8], $0x0  }
0x24: {  	s3 =	sadd.s32 $0x88, s3;
	s6 =	simm.s32 @!p1 $0x1082;
	[sflag:s4] =	ssyncset.s32 $0xFFFFF086  }
0x25: {  	[simem:s6], [sflag:s4] =	dma.local [hbm:s3], $0xF7A  }
0x26: {  	[smem:$0x3F9B] =	sst s1;
	(tag) =	ssettag s2;
	_ =	strace s9  }
0x27: {  	s1 =	sld [smem:$0x3FAB]  }
0x28: {  	s2 =	sld [smem:$0x3FAC]  }
0x29: {  	s4 =	sld [smem:$0x3FAE]  }
0x2a: {  	p0 =	seq.s32 s5, $0x0;
	s5 =	sld [smem:$0x3FAF]  }
0x2b: {  	s6 =	sld [smem:$0x3FB0]  }
0x2c: {  	s7 =	sld [smem:$0x3FB1]  }
0x2d: {  	s3 =	simm.s32 $0x108;
	s8 =	sld [smem:$0x3FB2]  }
0x2e: {  	s3 =	simm.s32 @!p0 $0x1082;
	s9 =	sld [smem:$0x3FB3]  }
0x2f: {  	lr =	sadd.s32 s0, s3;
	s0 =	sld [smem:$0x3FAA]  }
0x30: {  	s3 =	sld [smem:$0x3FAD]  }
0x31: {  	[smem:$0x3FB6] =	sst s10  }
0x32: {  	s10 =	sld [smem:$0x3FB4];
	_ =	sdelay $0x3  }
0x33: {  	p0 =	seq.s32 s10, $0x1;
	s10 =	sld [smem:$0x3FB6];
	_ =	sdelay $0x3  }
0x34: {  	[smem:$0x3FB6] =	sst s10  }
0x35: {  	s10 =	sld [smem:$0x3FB5];
	_ =	sdelay $0x3  }
0x36: {  	p1 =	seq.s32 s10, $0x1;
	s10 =	sld [smem:$0x3FB6];
	_ =	sdelay $0x3  }
0x37: {  	[smem:$0x3FB6] =	sst s10  }
0x38: {  	s10 =	sld [smem:$0x3FB7]  }
0x39: {  	_ = 	snop;
	(pc) =	sbr.ind lr, $3  }
0x3a: {  	_ = 	snop  }
0x3b: {  	_ = 	snop  }
0x3c: {  	p2 =	seq.s32 s10, $0x1;
	s10 =	sld [smem:$0x3FB6]  }
0x3d: {  	_ =	shalt  }
0x3e: {  	_ =	shalt  }
0x3f: {  	_ =	shalt  }
0x40: {  	_ =	shalt  }
0x41: {  	_ =	shalt  }
0x42: {  	_ =	shalt  }
0x43: {  	_ =	shalt  }
0x44: {  	_ =	shalt  }
0x45: {  	_ =	shalt  }
0x46: {  	_ =	shalt  }
0x47: {  	_ =	shalt  }
0x48: {  	_ =	shalt  }
0x49: {  	_ =	shalt  }
0x4a: {  	_ =	shalt  }
0x4b: {  	_ =	shalt  }
0x4c: {  	_ =	shalt  }
0x4d: {  	_ =	shalt  }
0x4e: {  	_ =	shalt  }
0x4f: {  	_ =	shalt  }
0x50: {  	_ =	shalt  }
0x51: {  	_ =	shalt  }
0x52: {  	_ =	shalt  }
0x53: {  	_ =	shalt  }
0x54: {  	_ =	shalt  }
0x55: {  	_ =	shalt  }
0x56: {  	_ =	shalt  }
0x57: {  	_ =	shalt  }
0x58: {  	_ =	shalt  }
0x59: {  	_ =	shalt  }
0x5a: {  	_ =	shalt  }
0x5b: {  	_ =	shalt  }
0x5c: {  	_ =	shalt  }
0x5d: {  	_ =	shalt  }
0x5e: {  	_ =	shalt  }
0x5f: {  	_ =	shalt  }
0x60: {  	_ =	shalt  }
0x61: {  	_ =	shalt  }
0x62: {  	_ =	shalt  }
0x63: {  	_ =	shalt  }
0x64: {  	_ =	shalt  }
0x65: {  	_ =	shalt  }
0x66: {  	_ =	shalt  }
0x67: {  	_ =	shalt  }
0x68: {  	_ =	shalt  }
0x69: {  	_ =	shalt  }
0x6a: {  	_ =	shalt  }
0x6b: {  	_ =	shalt  }
0x6c: {  	_ =	shalt  }
0x6d: {  	_ =	shalt  }
0x6e: {  	_ =	shalt  }
0x6f: {  	_ =	shalt  }
0x70: {  	_ =	shalt  }
0x71: {  	_ =	shalt  }
0x72: {  	_ =	shalt  }
0x73: {  	_ =	shalt  }
0x74: {  	_ =	shalt  }
0x75: {  	_ =	shalt  }
0x76: {  	_ =	shalt  }
0x77: {  	_ =	shalt  }
0x78: {  	_ =	shalt  }
0x79: {  	_ =	shalt  }
0x7a: {  	_ =	shalt  }
0x7b: {  	_ =	shalt  }
0x7c: {  	_ =	shalt  }
0x7d: {  	_ =	shalt  }
0x7e: {  	_ =	shalt  }
0x7f: {  	_ =	shalt  }
0x80: {  	_ =	shalt  }
0x81: {  	_ =	shalt  }
0x82: {  	_ =	shalt  }
0x83: {  	_ =	shalt  }
0x84: {  	_ =	shalt  }
0x85: {  	_ =	shalt  }
0x86: {  	_ =	shalt  }
0x87: {  	_ =	shalt  }
.Lfunc_end0:
.L_simem_size_0:
called_computation_lowered:
.L_overlay_start_0:
0x88: {  	s2 =	sld [smem:$0x3FD9]  }
0x89: {  	s3 =	sld [smem:$0x3FFE];
	_ =	sdelay $0x1  }
0x8a: {  	s1 =	srdreg.scid  }
0x8b: {  	s0 =	sand.u32 $0x1, s1  }
0x8c: {  	s16 =	sshll.u32 s0, $0xA;
	s2 =	sadd.s32 s3, s2  }
0x8d: {  	s2 =	sadd.s32 s2, s16  }
0x8e: {  	[smem:$0x3FC2] =	sst s2  }
0x8f: {  	_ = 	snop  }
0x90: {  	(tm) =	ssettm $0x1  }
0x91: {  	s17 =	sld [smem:$0x3FFB];
	_ =	sdelay $0x3  }
0x92: {  	_ =	strace s17  }
0x93: {  	s2 =	sld [smem:$0x3FFC];
	_ =	sdelay $0x3  }
0x94: {  	_ =	strace s2  }
0x95: {  	s2 =	sld [smem:$0x3FFD];
	_ =	sdelay $0x3  }
0x96: {  	_ =	strace s2  }
0x97: {  	_ =	strace $0x8FFFFFFF  }
0x98: {  	s18 =	sld [smem:$0x3FDB];
	_ =	sdelay $0x1  }
0x99: {  	s19 =	simm.s32 $_scs_section_size  }
0x9a: {  	s4 =	simm.s32 $_size__tile_overlayer_lowered;
	s5 =	simm.s32 $_tile_overlayer_lowered  }
0x9b: {  	s22 =	simm.s32 $0x1BFF;
	s21 =	sshll.u32 s5, $0x1;
	s2 =	sadd.s32 s19, s18  }
0x9c: {  	s6 =	simm.s32 $0x0;
	s20 =	sshll.u32 s4, $0x1;
	s4 =	sadd.s32 s21, s2  }
0x9d: {  	[timem:s6], [sflag:s22] =	dma.local [hbm:s4], s20  }
0x9e: {  	_ =	swait.ge [sflag:s22], s20  }
0x9f: {  	s3 =	ssub.s32 $0x0, s20;
	[sflag:s22] =	ssyncset.done $0x0  }
0xa0: {  	[sflag:s22] =	ssyncadd.s32 s3;
	_ =	sdelay $0x1  }
0xa1: {  	s23 =	simm.s32 $0x1B8B  }
0xa2: {  	_ =	swait.ge [sflag:s23], $0x1  }
0xa3: {  	[sflag:s23] =	ssyncset.done $0x0  }
0xa4: {  	s25 =	simm.s32 $0x1B8E;
	s24 =	sld [smem:$0x3FFE];
	[sflag:s23] =	ssyncadd.s32 $0xFFFFFFFF  }
0xa5: {  	s26 =	simm.s32 $execute0_lowered;
	[smem:$0x3FD2] =	sst s25  }
0xa6: {  	s4 =	sshll.u32 s26, $0x1;
	_ =	strace $0x80000046;
	[dreg:$0x1] =	wrdreg $0xFFFFFFFF  }
0xa7: {  	s28 =	simm.s32 $_size_execute0_lowered;
	s2 =	sadd.s32 s2, s4;
	[dreg:$0x0] =	wrdreg $0x0  }
0xa8: {  	s4 =	sshll.u32 s28, $0x1;
	[dreg:$0x2] =	wrdreg s2  }
0xa9: {  	[dreg:$0x3] =	wrdreg s4  }
0xaa: {  	[dreg:$0x4] =	wrdreg $0xC0  }
0xab: {  	_ =	task [dreg:s6], $0x5FFFF  }
0xac: {  	[dreg:$0x1] =	wrdreg $0xFFFFFFFF  }
0xad: {  	[dreg:$0x0] =	wrdreg $0x60  }
0xae: {  	[dreg:$0x2] =	wrdreg s24  }
0xaf: {  	[dreg:$0x3] =	wrdreg $0x9  }
0xb0: {  	_ =	task.clear_ibuf [dreg:s6], $0x4FFFF;
	_ =	strace $0x90000046  }
0xb1: {  	s29 =	simm.s32 $0x9;
	_ =	strace $0x80000048  }
0xb2: {  	_ =	swait.ge [sflag:s29], $0x1  }
0xb3: {  	[sflag:s29] =	ssyncadd.s32 $0xFFFFFFFF  }
0xb4: {  	_ =	strace $0x90000048  }
0xb5: {  	_ =	sfence  }
0xb6: {  	s30 =	sld [smem:$0x0];
	_ =	sdelay $0x2  }
0xb7: {  	s31 =	sshll.u32 s1, $0xD;
	s1 =	sshrl.u32 s1, $0x2  }
0xb8: {  	s3 =	sand.u32 $0x4000, s31;
	s1 =	sadd.s32 s1, s30  }
0xb9: {  	s0 =	sor.u32 s3, s0;
	s1 =	sshll.u32 s1, $0x11  }
0xba: {  	s0 =	sor.u32 s1, s0  }
0xbb: {  	s0 =	sadd.s32 $0x8F2B, s0  }
0xbc: {  	[sflag:s0] =	ssyncadd.remote.s32 $0x1  }
0xbd: {  	_ =	sfence.sel $0xFFFF  }
0xbe: {  	[dreg:$0x0] =	wrdreg $0xFFFFFFFF;
	(pc) =	sbr.abs _section_cstart, $3  }
0xbf: {  	[dreg:$0x1] =	wrdreg $0xFFFFFFFF  }
0xc0: {  	_ =	task.clear_ibuf [dreg:s6], $0x2FFFF;
	_ =	strace $0x9FFFFFFF  }
0xc1: {  	(tm) =	ssettm $0x7FFFFFFF  }
tec
execute0_lowered:
.L_overlay_start_1:
0x0: {  	(tag) =	ssettag $0x1  }
0x1: {  	s1 =	srdreg.scid;
	s4 =	rddreg [dreg:$0x0];
	s2 =	simm.s32 $0x0  }
0x2: {  	s0 =	stileid.u32;
	s16 =	simm.s32 $0x80;
	[smem:$0x7FF] =	sst s2  }
0x3: {  	s17 =	simm.s32 $0x880;
	_ =	strace $0x80000047;
	[dreg:$0x4] =	wrdreg s16  }
0x4: {  	s18 =	simm.s32 $0x100;
	s19 =	simm.s32 $0x900;
	[dreg:$0x5] =	wrdreg s17  }
0x5: {  	s20 =	simm.s32 $0x180;
	s1 =	sand.u32 $0x1, s1;
	[dreg:$0x6] =	wrdreg s18  }
0x6: {  	s3 =	sshll.u32 s0, $0x9;
	s5 =	sshll.u32 s1, $0x8;
	[dreg:$0x7] =	wrdreg s19  }
0x7: {  	s21 =	simm.s32 $0x980;
	[dreg:$0x8] =	wrdreg s20;
	s3 =	sor.u32 s5, s3  }
0x8: {  	s6 =	simm.s32 $0x200;
	[dreg:$0x9] =	wrdreg s21;
	s3 =	sadd.s32 s3, s4  }
0x9: {  	[dreg:$0xa] =	wrdreg s6;
	s15 =	sadd.s32 $0xC00, s3  }
0xa: {  	s3 =	sadd.s32 $0x5E00, s3;
	[dreg:$0x2] =	wrdreg s15  }
0xb: {  	[dreg:$0x3] =	wrdreg s3  }
0xc: {  	s3 =	simm.s32 $0x2;
	s5 =	rddreg [dreg:$0x2]  }
0xd: {  	[tilespmem:s2], [sflag:$0x2] =	stream.linear.gather [hbm4b:s5+s2], $0x800, $0x38;
	[tilespmem:$0x1000] =	vst v63  }
0xe: {  	_ =	swait.ge [sflag:s3], $0x800  }
0xf: {  	s6 =	simm.s32 $0x800;
	s7 =	rddreg [dreg:$0x8]  }
0x10: {  	s4 =	sadd.s32 $0x2C00, s4;
	s8 =	rddreg [dreg:$0x6];
	[sflag:s3] =	ssyncset.done $0x0  }
0x11: {  	s5 =	simm.s32 $0x64;
	s9 =	rddreg [dreg:$0x4];
	[sflag:s3] =	ssyncadd.s32 $0xFFFFF800  }
0x12: {  	[tilespmem:s6], [sflag:$0x1] =	stream.indirect.gather [hbm4b:s4+s5], $0x1, s2, s5, $0xb8;
	[tilespmem:$0x1000] =	vst v63  }
0x13: {  	s10 =	rddreg [dreg:$0x5]  }
0x14: {  	[tilespmem:s10], [sflag:$0x1] =	stream.indirect.gather [hbm4b:s4+s5], $0x1, s9, s5, $0xb8;
	[tilespmem:$0x1000] =	vst v63  }
0x15: {  	s11 =	rddreg [dreg:$0x7]  }
0x16: {  	[tilespmem:s11], [sflag:$0x1] =	stream.indirect.gather [hbm4b:s4+s5], $0x1, s8, s5, $0xb8;
	[tilespmem:$0x1000] =	vst v63  }
0x17: {  	s22 =	rddreg [dreg:$0x9]  }
0x18: {  	[tilespmem:s22], [sflag:$0x1] =	stream.indirect.gather [hbm4b:s4+s5], $0x1, s7, s5, $0xb8;
	[tilespmem:$0x1000] =	vst v63  }
0x19: {  	s24 =	simm.s32 $0xA00;
	s23 =	rddreg [dreg:$0xa]  }
0x1a: {  	[tilespmem:s24], [sflag:$0x1] =	stream.indirect.gather [hbm4b:s4+s5], $0x1, s23, s5, $0xb8;
	[tilespmem:$0x1000] =	vst v63  }
0x1b: {  	s25 =	simm.s32 $0x280;
	s26 =	simm.s32 $0xA80  }
0x1c: {  	[tilespmem:s26], [sflag:$0x1] =	stream.indirect.gather [hbm4b:s4+s5], $0x1, s25, s5, $0xb8;
	[tilespmem:$0x1000] =	vst v63  }
0x1d: {  	s8 =	simm.s32 $0xB00;
	s7 =	simm.s32 $0x300  }
0x1e: {  	[tilespmem:s8], [sflag:$0x1] =	stream.indirect.gather [hbm4b:s4+s5], $0x1, s7, s5, $0xb8;
	[tilespmem:$0x1000] =	vst v63  }
0x1f: {  	s12 =	simm.s32 $0x380;
	s13 =	simm.s32 $0xB80  }
0x20: {  	[tilespmem:s13], [sflag:$0x1] =	stream.indirect.gather [hbm4b:s4+s5], $0x1, s12, s5, $0xb8;
	[tilespmem:$0x1000] =	vst v63  }
0x21: {  	s14 =	simm.s32 $0x400;
	s15 =	simm.s32 $0xC00  }
0x22: {  	[tilespmem:s15], [sflag:$0x1] =	stream.indirect.gather [hbm4b:s4+s5], $0x1, s14, s5, $0xb8;
	[tilespmem:$0x1000] =	vst v63  }
0x23: {  	s16 =	simm.s32 $0x480;
	s17 =	simm.s32 $0xC80  }
0x24: {  	[tilespmem:s17], [sflag:$0x1] =	stream.indirect.gather [hbm4b:s4+s5], $0x1, s16, s5, $0xb8;
	[tilespmem:$0x1000] =	vst v63  }
0x25: {  	s18 =	simm.s32 $0x500;
	s19 =	simm.s32 $0xD00  }
0x26: {  	[tilespmem:s19], [sflag:$0x1] =	stream.indirect.gather [hbm4b:s4+s5], $0x1, s18, s5, $0xb8;
	[tilespmem:$0x1000] =	vst v63  }
0x27: {  	s20 =	simm.s32 $0x580;
	s21 =	simm.s32 $0xD80  }
0x28: {  	[tilespmem:s21], [sflag:$0x1] =	stream.indirect.gather [hbm4b:s4+s5], $0x1, s20, s5, $0xb8;
	[tilespmem:$0x1000] =	vst v63  }
0x29: {  	s22 =	simm.s32 $0x600;
	s23 =	simm.s32 $0xE00  }
0x2a: {  	[tilespmem:s23], [sflag:$0x1] =	stream.indirect.gather [hbm4b:s4+s5], $0x1, s22, s5, $0xb8;
	[tilespmem:$0x1000] =	vst v63  }
0x2b: {  	s24 =	simm.s32 $0x680;
	s25 =	simm.s32 $0xE80  }
0x2c: {  	[tilespmem:s25], [sflag:$0x1] =	stream.indirect.gather [hbm4b:s4+s5], $0x1, s24, s5, $0xb8;
	[tilespmem:$0x1000] =	vst v63  }
0x2d: {  	s28 =	simm.s32 $0xF00;
	s26 =	simm.s32 $0x700  }
0x2e: {  	[tilespmem:s28], [sflag:$0x1] =	stream.indirect.gather [hbm4b:s4+s5], $0x1, s26, s5, $0xb8;
	[tilespmem:$0x1000] =	vst v63  }
0x2f: {  	s29 =	simm.s32 $0x780;
	s30 =	simm.s32 $0xF80;
	s31 =	simm.s32 $0x1  }
0x30: {  	[tilespmem:s30], [sflag:$0x1] =	stream.indirect.gather [hbm4b:s4+s5], $0x1, s29, s5, $0xb8;
	[tilespmem:$0x1000] =	vst v63  }
0x31: {  	_ =	swait.ge [sflag:s31], $0x64  }
0x32: {  	[sflag:s31] =	ssyncset.done $0x0  }
0x33: {  	[sflag:s31] =	ssyncadd.s32 $0xFFFFFF9C  }
0x34: {  	_ =	swait.ge [sflag:s31], $0x64  }
0x35: {  	[sflag:s31] =	ssyncset.done $0x0  }
0x36: {  	[sflag:s31] =	ssyncadd.s32 $0xFFFFFF9C  }
0x37: {  	_ =	swait.ge [sflag:s31], $0x64  }
0x38: {  	[sflag:s31] =	ssyncset.done $0x0  }
0x39: {  	[sflag:s31] =	ssyncadd.s32 $0xFFFFFF9C  }
0x3a: {  	_ =	swait.ge [sflag:s31], $0x64  }
0x3b: {  	[sflag:s31] =	ssyncset.done $0x0  }
0x3c: {  	[sflag:s31] =	ssyncadd.s32 $0xFFFFFF9C  }
0x3d: {  	_ =	swait.ge [sflag:s31], $0x64  }
0x3e: {  	[sflag:s31] =	ssyncset.done $0x0  }
0x3f: {  	[sflag:s31] =	ssyncadd.s32 $0xFFFFFF9C  }
0x40: {  	_ =	swait.ge [sflag:s31], $0x64  }
0x41: {  	[sflag:s31] =	ssyncset.done $0x0  }
0x42: {  	[sflag:s31] =	ssyncadd.s32 $0xFFFFFF9C  }
0x43: {  	_ =	swait.ge [sflag:s31], $0x64  }
0x44: {  	[sflag:s31] =	ssyncset.done $0x0  }
0x45: {  	[sflag:s31] =	ssyncadd.s32 $0xFFFFFF9C  }
0x46: {  	_ =	swait.ge [sflag:s31], $0x64  }
0x47: {  	[sflag:s31] =	ssyncset.done $0x0  }
0x48: {  	[sflag:s31] =	ssyncadd.s32 $0xFFFFFF9C  }
0x49: {  	_ =	swait.ge [sflag:s31], $0x64  }
0x4a: {  	[sflag:s31] =	ssyncset.done $0x0  }
0x4b: {  	[sflag:s31] =	ssyncadd.s32 $0xFFFFFF9C  }
0x4c: {  	_ =	swait.ge [sflag:s31], $0x64  }
0x4d: {  	[sflag:s31] =	ssyncset.done $0x0  }
0x4e: {  	[sflag:s31] =	ssyncadd.s32 $0xFFFFFF9C  }
0x4f: {  	_ =	swait.ge [sflag:s31], $0x64  }
0x50: {  	[sflag:s31] =	ssyncset.done $0x0  }
0x51: {  	[sflag:s31] =	ssyncadd.s32 $0xFFFFFF9C  }
0x52: {  	_ =	swait.ge [sflag:s31], $0x64  }
0x53: {  	[sflag:s31] =	ssyncset.done $0x0  }
0x54: {  	[sflag:s31] =	ssyncadd.s32 $0xFFFFFF9C  }
0x55: {  	_ =	swait.ge [sflag:s31], $0x64  }
0x56: {  	[sflag:s31] =	ssyncset.done $0x0  }
0x57: {  	[sflag:s31] =	ssyncadd.s32 $0xFFFFFF9C  }
0x58: {  	s1 =	ssub.s32 $0x2, s1;
	_ =	swait.ge [sflag:s31], $0x64  }
0x59: {  	s10 =	sshrl.u32 s1, $0x1;
	[sflag:s31] =	ssyncset.done $0x0  }
0x5a: {  	s0 =	ssub.s32 s1, s10;
	[sflag:s31] =	ssyncadd.s32 $0xFFFFFF9C  }
0x5b: {  	s0 =	smax.u32 s0, $0x1;
	_ =	swait.ge [sflag:s31], $0x64  }
0x5c: {  	p0 =	sne.s32 s0, $0x1;
	[sflag:s31] =	ssyncset.done $0x0  }
.Ltmp0:
0x5d: {  	[sflag:s31] =	ssyncadd.s32 $0xFFFFFF9C;
	(pc) =	sbr.rel @!p0 .LBB2_2-.Ltmp0, $4  }
0x5e: {  	_ =	swait.ge [sflag:s31], $0x64  }
0x5f: {  	s11 =	simm.s32 $0xB00;
	[sflag:s31] =	ssyncset.done $0x0  }
0x60: {  	s1 =	sadd.s32 $0xFFFFFFFF, s0;
	s9 =	rddreg [dreg:$0x3];
	[sflag:s31] =	ssyncadd.s32 $0xFFFFFF9C  }
0x61: {  	[hbm4b:s9+s2] =	stream.linear.scatter [tilespmem:s6], [sflag:$0x2], $0x800, $0x38;
	[tilespmem:$0x1000] =	vst v63  }
.LBB2_1:
0x62: {  	_ =	swait.ge [sflag:s3], $0x800  }
0x63: {  	[sflag:s3] =	ssyncset.done $0x0  }
0x64: {  	s0 =	rddreg [dreg:$0x2];
	[sflag:s3] =	ssyncadd.s32 $0xFFFFF800  }
0x65: {  	[tilespmem:s2], [sflag:$0x2] =	stream.linear.gather [hbm4b:s0+s2], $0x800, $0x38;
	[tilespmem:$0x1000] =	vst v63  }
0x66: {  	_ =	swait.ge [sflag:s3], $0x800  }
0x67: {  	s0 =	rddreg [dreg:$0x8]  }
0x68: {  	[sflag:s3] =	ssyncset.done $0x0;
	s7 =	rddreg [dreg:$0x6]  }
0x69: {  	s8 =	rddreg [dreg:$0x4];
	[sflag:s3] =	ssyncadd.s32 $0xFFFFF800  }
0x6a: {  	[tilespmem:s6], [sflag:$0x1] =	stream.indirect.gather [hbm4b:s4+s5], $0x1, s2, s5, $0xb8;
	[tilespmem:$0x1000] =	vst v63  }
0x6b: {  	s9 =	rddreg [dreg:$0x5]  }
0x6c: {  	[tilespmem:s9], [sflag:$0x1] =	stream.indirect.gather [hbm4b:s4+s5], $0x1, s8, s5, $0xb8;
	[tilespmem:$0x1000] =	vst v63  }
0x6d: {  	s10 =	rddreg [dreg:$0x7]  }
0x6e: {  	[tilespmem:s10], [sflag:$0x1] =	stream.indirect.gather [hbm4b:s4+s5], $0x1, s7, s5, $0xb8;
	[tilespmem:$0x1000] =	vst v63  }
0x6f: {  	s8 =	rddreg [dreg:$0x9]  }
0x70: {  	[tilespmem:s8], [sflag:$0x1] =	stream.indirect.gather [hbm4b:s4+s5], $0x1, s0, s5, $0xb8;
	[tilespmem:$0x1000] =	vst v63  }
0x71: {  	s9 =	rddreg [dreg:$0xa];
	s10 =	simm.s32 $0xA00  }
0x72: {  	[tilespmem:s10], [sflag:$0x1] =	stream.indirect.gather [hbm4b:s4+s5], $0x1, s9, s5, $0xb8;
	[tilespmem:$0x1000] =	vst v63  }
0x73: {  	s7 =	simm.s32 $0x280;
	s8 =	simm.s32 $0xA80  }
0x74: {  	[tilespmem:s8], [sflag:$0x1] =	stream.indirect.gather [hbm4b:s4+s5], $0x1, s7, s5, $0xb8;
	[tilespmem:$0x1000] =	vst v63  }
0x75: {  	s9 =	simm.s32 $0x300  }
0x76: {  	[tilespmem:s11], [sflag:$0x1] =	stream.indirect.gather [hbm4b:s4+s5], $0x1, s9, s5, $0xb8;
	[tilespmem:$0x1000] =	vst v63  }
0x77: {  	_ = 	snop  }
0x78: {  	[tilespmem:s13], [sflag:$0x1] =	stream.indirect.gather [hbm4b:s4+s5], $0x1, s12, s5, $0xb8;
	[tilespmem:$0x1000] =	vst v63  }
0x79: {  	_ = 	snop  }
0x7a: {  	[tilespmem:s15], [sflag:$0x1] =	stream.indirect.gather [hbm4b:s4+s5], $0x1, s14, s5, $0xb8;
	[tilespmem:$0x1000] =	vst v63  }
0x7b: {  	_ = 	snop  }
0x7c: {  	[tilespmem:s17], [sflag:$0x1] =	stream.indirect.gather [hbm4b:s4+s5], $0x1, s16, s5, $0xb8;
	[tilespmem:$0x1000] =	vst v63  }
0x7d: {  	_ = 	snop  }
0x7e: {  	[tilespmem:s19], [sflag:$0x1] =	stream.indirect.gather [hbm4b:s4+s5], $0x1, s18, s5, $0xb8;
	[tilespmem:$0x1000] =	vst v63  }
0x7f: {  	_ = 	snop  }
0x80: {  	[tilespmem:s21], [sflag:$0x1] =	stream.indirect.gather [hbm4b:s4+s5], $0x1, s20, s5, $0xb8;
	[tilespmem:$0x1000] =	vst v63  }
0x81: {  	_ = 	snop  }
0x82: {  	[tilespmem:s23], [sflag:$0x1] =	stream.indirect.gather [hbm4b:s4+s5], $0x1, s22, s5, $0xb8;
	[tilespmem:$0x1000] =	vst v63  }
0x83: {  	_ = 	snop  }
0x84: {  	[tilespmem:s25], [sflag:$0x1] =	stream.indirect.gather [hbm4b:s4+s5], $0x1, s24, s5, $0xb8;
	[tilespmem:$0x1000] =	vst v63  }
0x85: {  	_ = 	snop  }
0x86: {  	[tilespmem:s28], [sflag:$0x1] =	stream.indirect.gather [hbm4b:s4+s5], $0x1, s26, s5, $0xb8;
	[tilespmem:$0x1000] =	vst v63  }
0x87: {  	_ = 	snop  }
0x88: {  	[tilespmem:s30], [sflag:$0x1] =	stream.indirect.gather [hbm4b:s4+s5], $0x1, s29, s5, $0xb8;
	[tilespmem:$0x1000] =	vst v63  }
0x89: {  	_ =	swait.ge [sflag:s31], $0x64  }
0x8a: {  	[sflag:s31] =	ssyncset.done $0x0  }
0x8b: {  	[sflag:s31] =	ssyncadd.s32 $0xFFFFFF9C  }
0x8c: {  	_ =	swait.ge [sflag:s31], $0x64  }
0x8d: {  	[sflag:s31] =	ssyncset.done $0x0  }
0x8e: {  	[sflag:s31] =	ssyncadd.s32 $0xFFFFFF9C  }
0x8f: {  	_ =	swait.ge [sflag:s31], $0x64  }
0x90: {  	[sflag:s31] =	ssyncset.done $0x0  }
0x91: {  	[sflag:s31] =	ssyncadd.s32 $0xFFFFFF9C  }
0x92: {  	_ =	swait.ge [sflag:s31], $0x64  }
0x93: {  	[sflag:s31] =	ssyncset.done $0x0  }
0x94: {  	[sflag:s31] =	ssyncadd.s32 $0xFFFFFF9C  }
0x95: {  	_ =	swait.ge [sflag:s31], $0x64  }
0x96: {  	[sflag:s31] =	ssyncset.done $0x0  }
0x97: {  	[sflag:s31] =	ssyncadd.s32 $0xFFFFFF9C  }
0x98: {  	_ =	swait.ge [sflag:s31], $0x64  }
0x99: {  	[sflag:s31] =	ssyncset.done $0x0  }
0x9a: {  	[sflag:s31] =	ssyncadd.s32 $0xFFFFFF9C  }
0x9b: {  	_ =	swait.ge [sflag:s31], $0x64  }
0x9c: {  	[sflag:s31] =	ssyncset.done $0x0  }
0x9d: {  	[sflag:s31] =	ssyncadd.s32 $0xFFFFFF9C  }
0x9e: {  	_ =	swait.ge [sflag:s31], $0x64  }
0x9f: {  	[sflag:s31] =	ssyncset.done $0x0  }
0xa0: {  	[sflag:s31] =	ssyncadd.s32 $0xFFFFFF9C  }
0xa1: {  	_ =	swait.ge [sflag:s31], $0x64  }
0xa2: {  	[sflag:s31] =	ssyncset.done $0x0  }
0xa3: {  	[sflag:s31] =	ssyncadd.s32 $0xFFFFFF9C  }
0xa4: {  	_ =	swait.ge [sflag:s31], $0x64  }
0xa5: {  	[sflag:s31] =	ssyncset.done $0x0  }
0xa6: {  	[sflag:s31] =	ssyncadd.s32 $0xFFFFFF9C  }
0xa7: {  	_ =	swait.ge [sflag:s31], $0x64  }
0xa8: {  	[sflag:s31] =	ssyncset.done $0x0  }
0xa9: {  	[sflag:s31] =	ssyncadd.s32 $0xFFFFFF9C  }
0xaa: {  	_ =	swait.ge [sflag:s31], $0x64  }
0xab: {  	[sflag:s31] =	ssyncset.done $0x0  }
0xac: {  	[sflag:s31] =	ssyncadd.s32 $0xFFFFFF9C  }
0xad: {  	_ =	swait.ge [sflag:s31], $0x64  }
0xae: {  	[sflag:s31] =	ssyncset.done $0x0  }
0xaf: {  	[sflag:s31] =	ssyncadd.s32 $0xFFFFFF9C  }
0xb0: {  	_ =	swait.ge [sflag:s31], $0x64  }
0xb1: {  	[sflag:s31] =	ssyncset.done $0x0  }
0xb2: {  	[sflag:s31] =	ssyncadd.s32 $0xFFFFFF9C  }
0xb3: {  	_ =	swait.ge [sflag:s31], $0x64  }
0xb4: {  	p0 =	sne.s32 s1, $0x1;
	[sflag:s31] =	ssyncset.done $0x0  }
.Ltmp1:
0xb5: {  	[sflag:s31] =	ssyncadd.s32 $0xFFFFFF9C;
	(pc) =	sbr.rel @p0 .LBB2_1-.Ltmp1, $4  }
0xb6: {  	_ =	swait.ge [sflag:s31], $0x64  }
0xb7: {  	[sflag:s31] =	ssyncset.done $0x0  }
0xb8: {  	s1 =	sadd.s32 $0xFFFFFFFF, s1;
	s10 =	rddreg [dreg:$0x3];
	[sflag:s31] =	ssyncadd.s32 $0xFFFFFF9C  }
0xb9: {  	[hbm4b:s10+s2] =	stream.linear.scatter [tilespmem:s6], [sflag:$0x2], $0x800, $0x38;
	[tilespmem:$0x1000] =	vst v63  }
.LBB2_2:
0xba: {  	_ =	swait.ge [sflag:s3], $0x800  }
0xbb: {  	[sflag:s3] =	ssyncset.done $0x0  }
0xbc: {  	[sflag:s3] =	ssyncadd.s32 $0xFFFFF800  }
0xbd: {  	_ =	sfence.sel $0x180000  }
0xbe: {  	[bflag:$0x0] =	sbarrier.arrive $0xFFFF  }
0xbf: {  	_ =	strace $0x90000047  }
0xc0: {  	s0 =	stileid.u32;
	[bflag:$0x2] =	sbarrier.arrive $0xFFFF  }
0xc1: {  	p0 =	sne.s32 s0, $0x0;
	s0 =	rddreg [dreg:$0x1]  }
0xc2: {  	s0 =	sadd.s32 @!p0 $0x100000, s0  }
0xc3: {  	[sflag:s0] =	ssyncadd.tile.s32 @!p0 $0x1;
	_ =	shalt  }
.Lfunc_end2:
_tile_overlayer_lowered:
.L_overlay_start_2:
0xc4: {  	(tag) =	ssettag $0x2  }
0xc5: {  	s0 =	rddreg [dreg:$0x0];
	s2 =	stileid.u32  }
0xc6: {  	s1 =	rddreg [dreg:$0x1];
	p0 =	sne.s32 s2, $0x0  }
0xc7: {  	s3 =	rddreg [dreg:$0x2];
	[bflag:$0x3] =	sbarrier.arrive $0xFFFF;
	s2 =	simm.s32 @!p0 $0x1C02  }
0xc8: {  	[timem:s3], [sflag:s2] =	dma.local @!p0 [hbm:s0], s1  }
0xc9: {  	s0 =	simm.s32 @!p0 $0x2  }
0xca: {  	_ =	swait.ge @!p0 [sflag:s0], s1  }
0xcb: {  	s1 =	ssub.s32 @!p0 $0x0, s1;
	[sflag:s0] =	ssyncset.done @!p0 $0x0  }
0xcc: {  	[sflag:s0] =	ssyncadd.s32 @!p0 s1  }
0xcd: {  	[bflag:$0x3] =	sbarrier.arrive $0xFFFF  }
0xce: {  	_ =	shalt  }

</sc_bundles>
